<compile_context>
chip_gen: v7x
topology: tpu7x:2x2x1
jax: 0.10.2.dev20260603
libtpu: 0.0.44.dev20260713+nightly
codegen_flags: <defaults>
</compile_context>

<pallas_src>
import functools

import jax
import jax.numpy as jnp
from jax import lax
from jax.experimental import pallas as pl
from jax.experimental.pallas import tpu as pltpu
from jax.experimental.pallas import tpu_sc as plsc

PROMPT_LEN = 128
HIDDEN = 2048
BATCH = 4
SEQ = 2048
TOTAL = PROMPT_LEN + SEQ

NC = 2
NS = 16
NW = NC * NS

TOK_TOTAL = BATCH * SEQ
ROWS_PER_W = TOK_TOTAL // NW
CHUNK = 16
NCHUNK = ROWS_PER_W // CHUNK
WPB = NW // BATCH
SEQ_PER_W = SEQ // WPB



def _linear_body(x_ref, w_ref, b_ref, o_ref, *, relu):
    acc = jnp.dot(x_ref[...], w_ref[...], preferred_element_type=jnp.float32)
    acc = acc + b_ref[...]
    if relu:
        acc = jnp.maximum(acc, 0.0)
    o_ref[...] = acc


def _linear(x, w, b, relu, bn=1024):
    n = w.shape[1]
    grid = n // bn
    return pl.pallas_call(
        functools.partial(_linear_body, relu=relu),
        grid=(grid,),
        in_specs=[
            pl.BlockSpec((x.shape[0], x.shape[1]), lambda j: (0, 0)),
            pl.BlockSpec((w.shape[0], bn), lambda j: (0, j)),
            pl.BlockSpec((1, bn), lambda j: (0, j)),
        ],
        out_specs=pl.BlockSpec((x.shape[0], bn), lambda j: (0, j)),
        out_shape=jax.ShapeDtypeStruct((x.shape[0], n), jnp.float32),
    )(x, w, b.reshape(1, -1))


def _broadcast_body(pe_ref, _, o_ref):
    o_ref[...] = jnp.broadcast_to(pe_ref[...][None, :, :], o_ref.shape)


def _broadcast_into(pe, out_buf, bn=1024):
    grid = HIDDEN // bn
    return pl.pallas_call(
        _broadcast_body,
        grid=(grid,),
        in_specs=[
            pl.BlockSpec((PROMPT_LEN, bn), lambda j: (0, j)),
            pl.BlockSpec(memory_space=pl.ANY),
        ],
        out_specs=pl.BlockSpec((BATCH, PROMPT_LEN, bn), lambda j: (0, 0, j)),
        out_shape=jax.ShapeDtypeStruct((BATCH, TOTAL, HIDDEN), jnp.float32),
        input_output_aliases={1: 0},
    )(pe, out_buf)



_MESH = plsc.VectorSubcoreMesh(core_axis_name="c", subcore_axis_name="s")


@functools.partial(
    pl.kernel,
    out_type=jax.ShapeDtypeStruct((BATCH, TOTAL, HIDDEN), jnp.float32),
    mesh=_MESH,
    scratch_types=[
        pltpu.VMEM((ROWS_PER_W,), jnp.int32),
    ] + [pltpu.VMEM((CHUNK, HIDDEN), jnp.float32)] * 3
      + [pltpu.SemaphoreType.DMA] * 6,
)
def _sc_gather(tokens_hbm, table_hbm, out_hbm, idx_v, *scr):
    wid = lax.axis_index("s") * NC + lax.axis_index("c")
    b = wid // WPB
    s0 = (wid % WPB) * SEQ_PER_W

    pltpu.sync_copy(tokens_hbm.at[b, pl.ds(s0, ROWS_PER_W)], idx_v)

    NB = 3
    bufs = scr[:NB]
    gsems = scr[NB:2 * NB]
    wsems = scr[2 * NB:3 * NB]

    def start_gather(c):
        i = c % NB
        return pltpu.async_copy(
            table_hbm.at[idx_v.at[pl.ds(c * CHUNK, CHUNK)]], bufs[i], gsems[i])

    def start_write(c):
        i = c % NB
        return pltpu.async_copy(
            bufs[i], out_hbm.at[b, pl.ds(PROMPT_LEN + s0 + c * CHUNK, CHUNK)],
            wsems[i])

    writes = [None] * NB
    g = [None] * NB
    DEPTH = 2
    for c in range(min(DEPTH, NCHUNK)):
        g[c % NB] = start_gather(c)
    for c in range(NCHUNK):
        i = c % NB
        g[i].wait()
        g[i] = None
        writes[i] = start_write(c)
        nc = c + DEPTH
        if nc < NCHUNK:
            j = nc % NB
            if writes[j] is not None:
                writes[j].wait()
                writes[j] = None
            g[j] = start_gather(nc)
    for i in range(NB):
        if writes[i] is not None:
            writes[i].wait()


def kernel(tokens, prompt_table, W1, b1, W2, b2, W3, b3, token_table):
    out = _sc_gather(tokens.astype(jnp.int32), token_table)
    h = _linear(prompt_table, W1, b1, relu=True)
    h = _linear(h, W2, b2, relu=True)
    pe = _linear(h, W3, b3, relu=False)
    return _broadcast_into(pe, out)

# --- scband reference (transcript-rebuilt; emitter-appended) ---
"""Pipeline reference for scband-peftpcondition-provider-42846593745061 (READ-ONLY COPY).

The authoritative reference and input builder live on the scoring server;
editing this copy changes nothing except your own understanding.
"""

import jax, jax.numpy as jnp
import numpy as np

PROMPT_LEN = 128
HIDDEN = 2048
NUM_SUBMODULES = 1
VOCAB = 50257
BATCH = 4
SEQ = 2048

def setup_inputs(seed: int = 0) -> dict:
    key = jax.random.key(seed)
    ks = jax.random.split(key, 10)
    tokens = jax.random.randint(ks[0], (BATCH, SEQ), 0, VOCAB, dtype=jnp.int64 if jax.config.jax_enable_x64 else jnp.int32)
    # PromptEncoder embedding: total_virtual_tokens = prompt_length * num_transformer_submodules
    prompt_table = jax.random.normal(ks[1], (PROMPT_LEN * NUM_SUBMODULES, HIDDEN), dtype=jnp.float32) * 0.02
    # PEFT MLP head: Linear(token_dim, enc_hidden) -> ReLU -> Linear(enc_hidden, enc_hidden) -> ReLU -> Linear(enc_hidden, token_dim)
    W1 = jax.random.normal(ks[2], (HIDDEN, HIDDEN), dtype=jnp.float32) * (1.0 / np.sqrt(HIDDEN))
    b1 = jnp.zeros((HIDDEN,), dtype=jnp.float32)
    W2 = jax.random.normal(ks[3], (HIDDEN, HIDDEN), dtype=jnp.float32) * (1.0 / np.sqrt(HIDDEN))
    b2 = jnp.zeros((HIDDEN,), dtype=jnp.float32)
    W3 = jax.random.normal(ks[4], (HIDDEN, HIDDEN), dtype=jnp.float32) * (1.0 / np.sqrt(HIDDEN))
    b3 = jnp.zeros((HIDDEN,), dtype=jnp.float32)
    # token embedding (freshly created nn.Embedding(50257, token_dim) in torch forward)
    token_table = jax.random.normal(ks[5], (VOCAB, HIDDEN), dtype=jnp.float32) * 0.02
    return {"tokens": tokens, "prompt_table": prompt_table, "W1": W1, "b1": b1, "W2": W2, "b2": b2, "W3": W3, "b3": b3, "token_table": token_table}

def reference(tokens, prompt_table, W1, b1, W2, b2, W3, b3, token_table):
    batch_size = tokens.shape[0]
    indices = jnp.arange(PROMPT_LEN)
    # PromptEncoder (MLP reparameterization): embed then 3-layer MLP with ReLU
    inp = jnp.take(prompt_table, indices, axis=0)                 # [P, H]
    h = jax.nn.relu(inp @ W1 + b1)
    h = jax.nn.relu(h @ W2 + b2)
    pe = h @ W3 + b3                                              # [P, H]
    prompt_embeds = jnp.broadcast_to(pe[None, :, :], (batch_size, PROMPT_LEN, HIDDEN))
    token_embeds = jnp.take(token_table, tokens, axis=0)          # [B, S, H]
    return jnp.concatenate([prompt_embeds, token_embeds], axis=1)

if __name__ == "__main__":
    import jax
    _d = setup_inputs()
    print(jax.jit(kernel)(*tuple(_d.values())))

</pallas_src>

<mosaic_0001>
#map = affine_map<(d0, d1) -> (0, 0)>
#map1 = affine_map<(d0, d1) -> (0, 0, 0)>
module attributes {stable_mosaic.version = 14 : i64} {
  func.func @_sc_gather(%arg0: i32, %arg1: i32, %arg2: memref<4x2048xi32, #tpu.memory_space<hbm>>, %arg3: memref<50257x2048xf32, #tpu.memory_space<hbm>>, %arg4: memref<4x2176x2048xf32, #tpu.memory_space<hbm>>, %arg5: memref<256xi32, #tpu.memory_space<vmem>>, %arg6: memref<16x2048xf32, #tpu.memory_space<vmem>>, %arg7: memref<16x2048xf32, #tpu.memory_space<vmem>>, %arg8: memref<16x2048xf32, #tpu.memory_space<vmem>>, %arg9: memref<!tpu.dma_semaphore, #tpu.memory_space<semaphore_mem>>, %arg10: memref<!tpu.dma_semaphore, #tpu.memory_space<semaphore_mem>>, %arg11: memref<!tpu.dma_semaphore, #tpu.memory_space<semaphore_mem>>, %arg12: memref<!tpu.dma_semaphore, #tpu.memory_space<semaphore_mem>>, %arg13: memref<!tpu.dma_semaphore, #tpu.memory_space<semaphore_mem>>, %arg14: memref<!tpu.dma_semaphore, #tpu.memory_space<semaphore_mem>>) attributes {dimension_semantics = [#tpu.dimension_semantics<core_parallel>, #tpu.dimension_semantics<subcore_parallel>], iteration_bounds = array<i64: 2, 16>, scalar_prefetch = 0 : i64, scratch_operands = 10 : i64, tpu.core_type = #tpu.core_type<sc_vector_subcore>, window_params = [{transform_indices = #map}, {transform_indices = #map}, {transform_indices = #map1}]} {
    %mul3A = arith.constant 2 : i32
    %mul3A_0 = arith.muli %arg1, %mul3A : i32
    %add3A = arith.addi %mul3A_0, %arg0 : i32
    %jit3A = arith.constant 8 : i32
    %div3A = arith.divsi %add3A, %jit3A : i32
    %sign3A = arith.constant 0 : i32
    %sign3A_1 = arith.cmpi sgt, %add3A, %sign3A : i32
    %sign3A_2 = arith.extui %sign3A_1 : i1 to i32
    %sign3A_3 = arith.constant 0 : i32
    %sign3A_4 = arith.cmpi slt, %add3A, %sign3A_3 : i32
    %sign3A_5 = arith.extui %sign3A_4 : i1 to i32
    %sign3A_6 = arith.subi %sign3A_2, %sign3A_5 : i32
    %sign3A_7 = arith.constant 0 : i32
    %sign3A_8 = arith.cmpi sgt, %jit3A, %sign3A_7 : i32
    %sign3A_9 = arith.extui %sign3A_8 : i1 to i32
    %sign3A_10 = arith.constant 0 : i32
    %sign3A_11 = arith.cmpi slt, %jit3A, %sign3A_10 : i32
    %sign3A_12 = arith.extui %sign3A_11 : i1 to i32
    %sign3A_13 = arith.subi %sign3A_9, %sign3A_12 : i32
    %ne3A = arith.cmpi ne, %sign3A_6, %sign3A_13 : i32
    %rem3A = arith.remsi %add3A, %jit3A : i32
    %ne3A_14 = arith.constant 0 : i32
    %ne3A_15 = arith.cmpi ne, %rem3A, %ne3A_14 : i32
    %and3A = arith.andi %ne3A, %ne3A_15 : i1
    %sub3A = arith.constant 1 : i32
    %sub3A_16 = arith.subi %div3A, %sub3A : i32
    %select_n3A = arith.select %and3A, %sub3A_16, %div3A : i32
    %jit3A_17 = arith.constant 8 : i32
    %eq3A = arith.constant 0 : i32
    %eq3A_18 = arith.cmpi eq, %jit3A_17, %eq3A : i32
    %jit3A_19 = arith.constant 1 : i32
    %select_n3A_20 = arith.select %eq3A_18, %jit3A_19, %jit3A_17 : i32
    %rem3A_21 = arith.remsi %add3A, %select_n3A_20 : i32
    %ne3A_22 = arith.constant 0 : i32
    %ne3A_23 = arith.cmpi ne, %rem3A_21, %ne3A_22 : i32
    %lt3A = arith.constant 0 : i32
    %lt3A_24 = arith.cmpi slt, %rem3A_21, %lt3A : i32
    %lt3A_25 = arith.constant 0 : i32
    %lt3A_26 = arith.cmpi slt, %select_n3A_20, %lt3A_25 : i32
    %ne3A_27 = arith.xori %lt3A_24, %lt3A_26 : i1
    %and3A_28 = arith.andi %ne3A_27, %ne3A_23 : i1
    %add3A_29 = arith.addi %rem3A_21, %select_n3A_20 : i32
    %select_n3A_30 = arith.select %and3A_28, %add3A_29, %rem3A_21 : i32
    %mul3A_31 = arith.constant 256 : i32
    %mul3A_32 = arith.muli %select_n3A_30, %mul3A_31 : i32
    "tpu.region"() ({
      %run_scoped3A = tpu.sem_alloc : memref<!tpu.dma_semaphore, #tpu.memory_space<semaphore_mem>>
      %dma_start3A_447 = tpu.memref_slice %arg2[%select_n3A, %mul3A_32] : memref<4x2048xi32, #tpu.memory_space<hbm>> -> memref<1x256xi32, #tpu.memory_space<hbm>>
      %dma_start3A_448 = tpu.memref_squeeze %dma_start3A_447 : memref<1x256xi32, #tpu.memory_space<hbm>> -> memref<256xi32, #tpu.memory_space<hbm>>
      %dma_start3A_449 = tpu.memref_slice %arg2[%select_n3A, %mul3A_32] : memref<4x2048xi32, #tpu.memory_space<hbm>> -> memref<1x256xi32, #tpu.memory_space<hbm>>
      %dma_start3A_450 = tpu.memref_squeeze %dma_start3A_449 : memref<1x256xi32, #tpu.memory_space<hbm>> -> memref<256xi32, #tpu.memory_space<hbm>>
      tpu.enqueue_dma source(%dma_start3A_450 : memref<256xi32, #tpu.memory_space<hbm>>) target(%arg5 : memref<256xi32, #tpu.memory_space<vmem>>) target_semaphore(%run_scoped3A : memref<!tpu.dma_semaphore, #tpu.memory_space<semaphore_mem>>)
      %dma_wait3A_451 = tpu.memref_slice %arg2[%select_n3A, %mul3A_32] : memref<4x2048xi32, #tpu.memory_space<hbm>> -> memref<1x256xi32, #tpu.memory_space<hbm>>
      %dma_wait3A_452 = tpu.memref_squeeze %dma_wait3A_451 : memref<1x256xi32, #tpu.memory_space<hbm>> -> memref<256xi32, #tpu.memory_space<hbm>>
      %dma_wait3A_453 = tpu.memref_slice %arg2[%select_n3A, %mul3A_32] : memref<4x2048xi32, #tpu.memory_space<hbm>> -> memref<1x256xi32, #tpu.memory_space<hbm>>
      %dma_wait3A_454 = tpu.memref_squeeze %dma_wait3A_453 : memref<1x256xi32, #tpu.memory_space<hbm>> -> memref<256xi32, #tpu.memory_space<hbm>>
      tpu.wait_dma2 semaphore(%run_scoped3A : memref<!tpu.dma_semaphore, #tpu.memory_space<semaphore_mem>>) src(%dma_wait3A_454 : memref<256xi32, #tpu.memory_space<hbm>>) dst(%arg5 : memref<256xi32, #tpu.memory_space<vmem>>)
      tpu.yield
    }) : () -> ()
    %dma_start3A = arith.constant 0 : i32
    %dma_start3A_33 = tpu.memref_slice %arg5[%dma_start3A] : memref<256xi32, #tpu.memory_space<vmem>> -> memref<16xi32, #tpu.memory_space<vmem>>
    %dma_start3A_34 = arith.constant 0 : i32
    %dma_start3A_35 = arith.constant 0 : i32
    %dma_start3A_36 = tpu.memref_slice %arg3[%dma_start3A_34, %dma_start3A_35] : memref<50257x2048xf32, #tpu.memory_space<hbm>> -> memref<50257x2048xf32, #tpu.memory_space<hbm>>
    tpu.enqueue_indirect_dma source(%dma_start3A_36 : memref<50257x2048xf32, #tpu.memory_space<hbm>>) target(%arg6 : memref<16x2048xf32, #tpu.memory_space<vmem>>) offsets(%dma_start3A_33 : memref<16xi32, #tpu.memory_space<vmem>>) semaphore(%arg9 : memref<!tpu.dma_semaphore, #tpu.memory_space<semaphore_mem>>)
    %dma_start3A_37 = arith.constant 16 : i32
    %dma_start3A_38 = tpu.memref_slice %arg5[%dma_start3A_37] : memref<256xi32, #tpu.memory_space<vmem>> -> memref<16xi32, #tpu.memory_space<vmem>>
    %dma_start3A_39 = arith.constant 0 : i32
    %dma_start3A_40 = arith.constant 0 : i32
    %dma_start3A_41 = tpu.memref_slice %arg3[%dma_start3A_39, %dma_start3A_40] : memref<50257x2048xf32, #tpu.memory_space<hbm>> -> memref<50257x2048xf32, #tpu.memory_space<hbm>>
    tpu.enqueue_indirect_dma source(%dma_start3A_41 : memref<50257x2048xf32, #tpu.memory_space<hbm>>) target(%arg7 : memref<16x2048xf32, #tpu.memory_space<vmem>>) offsets(%dma_start3A_38 : memref<16xi32, #tpu.memory_space<vmem>>) semaphore(%arg10 : memref<!tpu.dma_semaphore, #tpu.memory_space<semaphore_mem>>)
    %dma_wait3A = arith.constant 0 : i32
    %dma_wait3A_42 = tpu.memref_slice %arg5[%dma_wait3A] : memref<256xi32, #tpu.memory_space<vmem>> -> memref<16xi32, #tpu.memory_space<vmem>>
    %dma_wait3A_43 = arith.constant 0 : i32
    %dma_wait3A_44 = arith.constant 0 : i32
    %dma_wait3A_45 = tpu.memref_slice %arg3[%dma_wait3A_43, %dma_wait3A_44] : memref<50257x2048xf32, #tpu.memory_space<hbm>> -> memref<50257x2048xf32, #tpu.memory_space<hbm>>
    tpu.wait_indirect_dma semaphore(%arg9 : memref<!tpu.dma_semaphore, #tpu.memory_space<semaphore_mem>>) src(%dma_wait3A_45 : memref<50257x2048xf32, #tpu.memory_space<hbm>>) dst(%arg6 : memref<16x2048xf32, #tpu.memory_space<vmem>>)
    %add3A_46 = arith.constant 128 : i32
    %add3A_47 = arith.addi %add3A_46, %mul3A_32 : i32
    %add3A_48 = arith.constant 0 : i32
    %add3A_49 = arith.addi %add3A_47, %add3A_48 : i32
    %dma_start3A_50 = arith.constant 0 : i32
    %dma_start3A_51 = tpu.memref_slice %arg4[%select_n3A, %add3A_49, %dma_start3A_50] : memref<4x2176x2048xf32, #tpu.memory_space<hbm>> -> memref<1x16x2048xf32, #tpu.memory_space<hbm>>
    %dma_start3A_52 = tpu.memref_squeeze %dma_start3A_51 : memref<1x16x2048xf32, #tpu.memory_space<hbm>> -> memref<16x2048xf32, #tpu.memory_space<hbm>>
    %dma_start3A_53 = arith.constant 0 : i32
    %dma_start3A_54 = tpu.memref_slice %arg4[%select_n3A, %add3A_49, %dma_start3A_53] : memref<4x2176x2048xf32, #tpu.memory_space<hbm>> -> memref<1x16x2048xf32, #tpu.memory_space<hbm>>
    %dma_start3A_55 = tpu.memref_squeeze %dma_start3A_54 : memref<1x16x2048xf32, #tpu.memory_space<hbm>> -> memref<16x2048xf32, #tpu.memory_space<hbm>>
    tpu.enqueue_dma source(%arg6 : memref<16x2048xf32, #tpu.memory_space<vmem>>) target(%dma_start3A_55 : memref<16x2048xf32, #tpu.memory_space<hbm>>) target_semaphore(%arg12 : memref<!tpu.dma_semaphore, #tpu.memory_space<semaphore_mem>>)
    %dma_start3A_56 = arith.constant 32 : i32
    %dma_start3A_57 = tpu.memref_slice %arg5[%dma_start3A_56] : memref<256xi32, #tpu.memory_space<vmem>> -> memref<16xi32, #tpu.memory_space<vmem>>
    %dma_start3A_58 = arith.constant 0 : i32
    %dma_start3A_59 = arith.constant 0 : i32
    %dma_start3A_60 = tpu.memref_slice %arg3[%dma_start3A_58, %dma_start3A_59] : memref<50257x2048xf32, #tpu.memory_space<hbm>> -> memref<50257x2048xf32, #tpu.memory_space<hbm>>
    tpu.enqueue_indirect_dma source(%dma_start3A_60 : memref<50257x2048xf32, #tpu.memory_space<hbm>>) target(%arg8 : memref<16x2048xf32, #tpu.memory_space<vmem>>) offsets(%dma_start3A_57 : memref<16xi32, #tpu.memory_space<vmem>>) semaphore(%arg11 : memref<!tpu.dma_semaphore, #tpu.memory_space<semaphore_mem>>)
    %dma_wait3A_61 = arith.constant 16 : i32
    %dma_wait3A_62 = tpu.memref_slice %arg5[%dma_wait3A_61] : memref<256xi32, #tpu.memory_space<vmem>> -> memref<16xi32, #tpu.memory_space<vmem>>
    %dma_wait3A_63 = arith.constant 0 : i32
    %dma_wait3A_64 = arith.constant 0 : i32
    %dma_wait3A_65 = tpu.memref_slice %arg3[%dma_wait3A_63, %dma_wait3A_64] : memref<50257x2048xf32, #tpu.memory_space<hbm>> -> memref<50257x2048xf32, #tpu.memory_space<hbm>>
    tpu.wait_indirect_dma semaphore(%arg10 : memref<!tpu.dma_semaphore, #tpu.memory_space<semaphore_mem>>) src(%dma_wait3A_65 : memref<50257x2048xf32, #tpu.memory_space<hbm>>) dst(%arg7 : memref<16x2048xf32, #tpu.memory_space<vmem>>)
    %add3A_66 = arith.constant 128 : i32
    %add3A_67 = arith.addi %add3A_66, %mul3A_32 : i32
    %add3A_68 = arith.constant 16 : i32
    %add3A_69 = arith.addi %add3A_67, %add3A_68 : i32
    %dma_start3A_70 = arith.constant 0 : i32
    %dma_start3A_71 = tpu.memref_slice %arg4[%select_n3A, %add3A_69, %dma_start3A_70] : memref<4x2176x2048xf32, #tpu.memory_space<hbm>> -> memref<1x16x2048xf32, #tpu.memory_space<hbm>>
    %dma_start3A_72 = tpu.memref_squeeze %dma_start3A_71 : memref<1x16x2048xf32, #tpu.memory_space<hbm>> -> memref<16x2048xf32, #tpu.memory_space<hbm>>
    %dma_start3A_73 = arith.constant 0 : i32
    %dma_start3A_74 = tpu.memref_slice %arg4[%select_n3A, %add3A_69, %dma_start3A_73] : memref<4x2176x2048xf32, #tpu.memory_space<hbm>> -> memref<1x16x2048xf32, #tpu.memory_space<hbm>>
    %dma_start3A_75 = tpu.memref_squeeze %dma_start3A_74 : memref<1x16x2048xf32, #tpu.memory_space<hbm>> -> memref<16x2048xf32, #tpu.memory_space<hbm>>
    tpu.enqueue_dma source(%arg7 : memref<16x2048xf32, #tpu.memory_space<vmem>>) target(%dma_start3A_75 : memref<16x2048xf32, #tpu.memory_space<hbm>>) target_semaphore(%arg13 : memref<!tpu.dma_semaphore, #tpu.memory_space<semaphore_mem>>)
    %dma_wait3A_76 = arith.constant 0 : i32
    %dma_wait3A_77 = tpu.memref_slice %arg4[%select_n3A, %add3A_49, %dma_wait3A_76] : memref<4x2176x2048xf32, #tpu.memory_space<hbm>> -> memref<1x16x2048xf32, #tpu.memory_space<hbm>>
    %dma_wait3A_78 = tpu.memref_squeeze %dma_wait3A_77 : memref<1x16x2048xf32, #tpu.memory_space<hbm>> -> memref<16x2048xf32, #tpu.memory_space<hbm>>
    %dma_wait3A_79 = arith.constant 0 : i32
    %dma_wait3A_80 = tpu.memref_slice %arg4[%select_n3A, %add3A_49, %dma_wait3A_79] : memref<4x2176x2048xf32, #tpu.memory_space<hbm>> -> memref<1x16x2048xf32, #tpu.memory_space<hbm>>
    %dma_wait3A_81 = tpu.memref_squeeze %dma_wait3A_80 : memref<1x16x2048xf32, #tpu.memory_space<hbm>> -> memref<16x2048xf32, #tpu.memory_space<hbm>>
    tpu.wait_dma2 semaphore(%arg12 : memref<!tpu.dma_semaphore, #tpu.memory_space<semaphore_mem>>) src(%arg6 : memref<16x2048xf32, #tpu.memory_space<vmem>>) dst(%dma_wait3A_81 : memref<16x2048xf32, #tpu.memory_space<hbm>>)
    %dma_start3A_82 = arith.constant 48 : i32
    %dma_start3A_83 = tpu.memref_slice %arg5[%dma_start3A_82] : memref<256xi32, #tpu.memory_space<vmem>> -> memref<16xi32, #tpu.memory_space<vmem>>
    %dma_start3A_84 = arith.constant 0 : i32
    %dma_start3A_85 = arith.constant 0 : i32
    %dma_start3A_86 = tpu.memref_slice %arg3[%dma_start3A_84, %dma_start3A_85] : memref<50257x2048xf32, #tpu.memory_space<hbm>> -> memref<50257x2048xf32, #tpu.memory_space<hbm>>
    tpu.enqueue_indirect_dma source(%dma_start3A_86 : memref<50257x2048xf32, #tpu.memory_space<hbm>>) target(%arg6 : memref<16x2048xf32, #tpu.memory_space<vmem>>) offsets(%dma_start3A_83 : memref<16xi32, #tpu.memory_space<vmem>>) semaphore(%arg9 : memref<!tpu.dma_semaphore, #tpu.memory_space<semaphore_mem>>)
    %dma_wait3A_87 = arith.constant 32 : i32
    %dma_wait3A_88 = tpu.memref_slice %arg5[%dma_wait3A_87] : memref<256xi32, #tpu.memory_space<vmem>> -> memref<16xi32, #tpu.memory_space<vmem>>
    %dma_wait3A_89 = arith.constant 0 : i32
    %dma_wait3A_90 = arith.constant 0 : i32
    %dma_wait3A_91 = tpu.memref_slice %arg3[%dma_wait3A_89, %dma_wait3A_90] : memref<50257x2048xf32, #tpu.memory_space<hbm>> -> memref<50257x2048xf32, #tpu.memory_space<hbm>>
    tpu.wait_indirect_dma semaphore(%arg11 : memref<!tpu.dma_semaphore, #tpu.memory_space<semaphore_mem>>) src(%dma_wait3A_91 : memref<50257x2048xf32, #tpu.memory_space<hbm>>) dst(%arg8 : memref<16x2048xf32, #tpu.memory_space<vmem>>)
    %add3A_92 = arith.constant 128 : i32
    %add3A_93 = arith.addi %add3A_92, %mul3A_32 : i32
    %add3A_94 = arith.constant 32 : i32
    %add3A_95 = arith.addi %add3A_93, %add3A_94 : i32
    %dma_start3A_96 = arith.constant 0 : i32
    %dma_start3A_97 = tpu.memref_slice %arg4[%select_n3A, %add3A_95, %dma_start3A_96] : memref<4x2176x2048xf32, #tpu.memory_space<hbm>> -> memref<1x16x2048xf32, #tpu.memory_space<hbm>>
    %dma_start3A_98 = tpu.memref_squeeze %dma_start3A_97 : memref<1x16x2048xf32, #tpu.memory_space<hbm>> -> memref<16x2048xf32, #tpu.memory_space<hbm>>
    %dma_start3A_99 = arith.constant 0 : i32
    %dma_start3A_100 = tpu.memref_slice %arg4[%select_n3A, %add3A_95, %dma_start3A_99] : memref<4x2176x2048xf32, #tpu.memory_space<hbm>> -> memref<1x16x2048xf32, #tpu.memory_space<hbm>>
    %dma_start3A_101 = tpu.memref_squeeze %dma_start3A_100 : memref<1x16x2048xf32, #tpu.memory_space<hbm>> -> memref<16x2048xf32, #tpu.memory_space<hbm>>
    tpu.enqueue_dma source(%arg8 : memref<16x2048xf32, #tpu.memory_space<vmem>>) target(%dma_start3A_101 : memref<16x2048xf32, #tpu.memory_space<hbm>>) target_semaphore(%arg14 : memref<!tpu.dma_semaphore, #tpu.memory_space<semaphore_mem>>)
    %dma_wait3A_102 = arith.constant 0 : i32
    %dma_wait3A_103 = tpu.memref_slice %arg4[%select_n3A, %add3A_69, %dma_wait3A_102] : memref<4x2176x2048xf32, #tpu.memory_space<hbm>> -> memref<1x16x2048xf32, #tpu.memory_space<hbm>>
    %dma_wait3A_104 = tpu.memref_squeeze %dma_wait3A_103 : memref<1x16x2048xf32, #tpu.memory_space<hbm>> -> memref<16x2048xf32, #tpu.memory_space<hbm>>
    %dma_wait3A_105 = arith.constant 0 : i32
    %dma_wait3A_106 = tpu.memref_slice %arg4[%select_n3A, %add3A_69, %dma_wait3A_105] : memref<4x2176x2048xf32, #tpu.memory_space<hbm>> -> memref<1x16x2048xf32, #tpu.memory_space<hbm>>
    %dma_wait3A_107 = tpu.memref_squeeze %dma_wait3A_106 : memref<1x16x2048xf32, #tpu.memory_space<hbm>> -> memref<16x2048xf32, #tpu.memory_space<hbm>>
    tpu.wait_dma2 semaphore(%arg13 : memref<!tpu.dma_semaphore, #tpu.memory_space<semaphore_mem>>) src(%arg7 : memref<16x2048xf32, #tpu.memory_space<vmem>>) dst(%dma_wait3A_107 : memref<16x2048xf32, #tpu.memory_space<hbm>>)
    %dma_start3A_108 = arith.constant 64 : i32
    %dma_start3A_109 = tpu.memref_slice %arg5[%dma_start3A_108] : memref<256xi32, #tpu.memory_space<vmem>> -> memref<16xi32, #tpu.memory_space<vmem>>
    %dma_start3A_110 = arith.constant 0 : i32
    %dma_start3A_111 = arith.constant 0 : i32
    %dma_start3A_112 = tpu.memref_slice %arg3[%dma_start3A_110, %dma_start3A_111] : memref<50257x2048xf32, #tpu.memory_space<hbm>> -> memref<50257x2048xf32, #tpu.memory_space<hbm>>
    tpu.enqueue_indirect_dma source(%dma_start3A_112 : memref<50257x2048xf32, #tpu.memory_space<hbm>>) target(%arg7 : memref<16x2048xf32, #tpu.memory_space<vmem>>) offsets(%dma_start3A_109 : memref<16xi32, #tpu.memory_space<vmem>>) semaphore(%arg10 : memref<!tpu.dma_semaphore, #tpu.memory_space<semaphore_mem>>)
    %dma_wait3A_113 = arith.constant 48 : i32
    %dma_wait3A_114 = tpu.memref_slice %arg5[%dma_wait3A_113] : memref<256xi32, #tpu.memory_space<vmem>> -> memref<16xi32, #tpu.memory_space<vmem>>
    %dma_wait3A_115 = arith.constant 0 : i32
    %dma_wait3A_116 = arith.constant 0 : i32
    %dma_wait3A_117 = tpu.memref_slice %arg3[%dma_wait3A_115, %dma_wait3A_116] : memref<50257x2048xf32, #tpu.memory_space<hbm>> -> memref<50257x2048xf32, #tpu.memory_space<hbm>>
    tpu.wait_indirect_dma semaphore(%arg9 : memref<!tpu.dma_semaphore, #tpu.memory_space<semaphore_mem>>) src(%dma_wait3A_117 : memref<50257x2048xf32, #tpu.memory_space<hbm>>) dst(%arg6 : memref<16x2048xf32, #tpu.memory_space<vmem>>)
    %add3A_118 = arith.constant 128 : i32
    %add3A_119 = arith.addi %add3A_118, %mul3A_32 : i32
    %add3A_120 = arith.constant 48 : i32
    %add3A_121 = arith.addi %add3A_119, %add3A_120 : i32
    %dma_start3A_122 = arith.constant 0 : i32
    %dma_start3A_123 = tpu.memref_slice %arg4[%select_n3A, %add3A_121, %dma_start3A_122] : memref<4x2176x2048xf32, #tpu.memory_space<hbm>> -> memref<1x16x2048xf32, #tpu.memory_space<hbm>>
    %dma_start3A_124 = tpu.memref_squeeze %dma_start3A_123 : memref<1x16x2048xf32, #tpu.memory_space<hbm>> -> memref<16x2048xf32, #tpu.memory_space<hbm>>
    %dma_start3A_125 = arith.constant 0 : i32
    %dma_start3A_126 = tpu.memref_slice %arg4[%select_n3A, %add3A_121, %dma_start3A_125] : memref<4x2176x2048xf32, #tpu.memory_space<hbm>> -> memref<1x16x2048xf32, #tpu.memory_space<hbm>>
    %dma_start3A_127 = tpu.memref_squeeze %dma_start3A_126 : memref<1x16x2048xf32, #tpu.memory_space<hbm>> -> memref<16x2048xf32, #tpu.memory_space<hbm>>
    tpu.enqueue_dma source(%arg6 : memref<16x2048xf32, #tpu.memory_space<vmem>>) target(%dma_start3A_127 : memref<16x2048xf32, #tpu.memory_space<hbm>>) target_semaphore(%arg12 : memref<!tpu.dma_semaphore, #tpu.memory_space<semaphore_mem>>)
    %dma_wait3A_128 = arith.constant 0 : i32
    %dma_wait3A_129 = tpu.memref_slice %arg4[%select_n3A, %add3A_95, %dma_wait3A_128] : memref<4x2176x2048xf32, #tpu.memory_space<hbm>> -> memref<1x16x2048xf32, #tpu.memory_space<hbm>>
    %dma_wait3A_130 = tpu.memref_squeeze %dma_wait3A_129 : memref<1x16x2048xf32, #tpu.memory_space<hbm>> -> memref<16x2048xf32, #tpu.memory_space<hbm>>
    %dma_wait3A_131 = arith.constant 0 : i32
    %dma_wait3A_132 = tpu.memref_slice %arg4[%select_n3A, %add3A_95, %dma_wait3A_131] : memref<4x2176x2048xf32, #tpu.memory_space<hbm>> -> memref<1x16x2048xf32, #tpu.memory_space<hbm>>
    %dma_wait3A_133 = tpu.memref_squeeze %dma_wait3A_132 : memref<1x16x2048xf32, #tpu.memory_space<hbm>> -> memref<16x2048xf32, #tpu.memory_space<hbm>>
    tpu.wait_dma2 semaphore(%arg14 : memref<!tpu.dma_semaphore, #tpu.memory_space<semaphore_mem>>) src(%arg8 : memref<16x2048xf32, #tpu.memory_space<vmem>>) dst(%dma_wait3A_133 : memref<16x2048xf32, #tpu.memory_space<hbm>>)
    %dma_start3A_134 = arith.constant 80 : i32
    %dma_start3A_135 = tpu.memref_slice %arg5[%dma_start3A_134] : memref<256xi32, #tpu.memory_space<vmem>> -> memref<16xi32, #tpu.memory_space<vmem>>
    %dma_start3A_136 = arith.constant 0 : i32
    %dma_start3A_137 = arith.constant 0 : i32
    %dma_start3A_138 = tpu.memref_slice %arg3[%dma_start3A_136, %dma_start3A_137] : memref<50257x2048xf32, #tpu.memory_space<hbm>> -> memref<50257x2048xf32, #tpu.memory_space<hbm>>
    tpu.enqueue_indirect_dma source(%dma_start3A_138 : memref<50257x2048xf32, #tpu.memory_space<hbm>>) target(%arg8 : memref<16x2048xf32, #tpu.memory_space<vmem>>) offsets(%dma_start3A_135 : memref<16xi32, #tpu.memory_space<vmem>>) semaphore(%arg11 : memref<!tpu.dma_semaphore, #tpu.memory_space<semaphore_mem>>)
    %dma_wait3A_139 = arith.constant 64 : i32
    %dma_wait3A_140 = tpu.memref_slice %arg5[%dma_wait3A_139] : memref<256xi32, #tpu.memory_space<vmem>> -> memref<16xi32, #tpu.memory_space<vmem>>
    %dma_wait3A_141 = arith.constant 0 : i32
    %dma_wait3A_142 = arith.constant 0 : i32
    %dma_wait3A_143 = tpu.memref_slice %arg3[%dma_wait3A_141, %dma_wait3A_142] : memref<50257x2048xf32, #tpu.memory_space<hbm>> -> memref<50257x2048xf32, #tpu.memory_space<hbm>>
    tpu.wait_indirect_dma semaphore(%arg10 : memref<!tpu.dma_semaphore, #tpu.memory_space<semaphore_mem>>) src(%dma_wait3A_143 : memref<50257x2048xf32, #tpu.memory_space<hbm>>) dst(%arg7 : memref<16x2048xf32, #tpu.memory_space<vmem>>)
    %add3A_144 = arith.constant 128 : i32
    %add3A_145 = arith.addi %add3A_144, %mul3A_32 : i32
    %add3A_146 = arith.constant 64 : i32
    %add3A_147 = arith.addi %add3A_145, %add3A_146 : i32
    %dma_start3A_148 = arith.constant 0 : i32
    %dma_start3A_149 = tpu.memref_slice %arg4[%select_n3A, %add3A_147, %dma_start3A_148] : memref<4x2176x2048xf32, #tpu.memory_space<hbm>> -> memref<1x16x2048xf32, #tpu.memory_space<hbm>>
    %dma_start3A_150 = tpu.memref_squeeze %dma_start3A_149 : memref<1x16x2048xf32, #tpu.memory_space<hbm>> -> memref<16x2048xf32, #tpu.memory_space<hbm>>
    %dma_start3A_151 = arith.constant 0 : i32
    %dma_start3A_152 = tpu.memref_slice %arg4[%select_n3A, %add3A_147, %dma_start3A_151] : memref<4x2176x2048xf32, #tpu.memory_space<hbm>> -> memref<1x16x2048xf32, #tpu.memory_space<hbm>>
    %dma_start3A_153 = tpu.memref_squeeze %dma_start3A_152 : memref<1x16x2048xf32, #tpu.memory_space<hbm>> -> memref<16x2048xf32, #tpu.memory_space<hbm>>
    tpu.enqueue_dma source(%arg7 : memref<16x2048xf32, #tpu.memory_space<vmem>>) target(%dma_start3A_153 : memref<16x2048xf32, #tpu.memory_space<hbm>>) target_semaphore(%arg13 : memref<!tpu.dma_semaphore, #tpu.memory_space<semaphore_mem>>)
    %dma_wait3A_154 = arith.constant 0 : i32
    %dma_wait3A_155 = tpu.memref_slice %arg4[%select_n3A, %add3A_121, %dma_wait3A_154] : memref<4x2176x2048xf32, #tpu.memory_space<hbm>> -> memref<1x16x2048xf32, #tpu.memory_space<hbm>>
    %dma_wait3A_156 = tpu.memref_squeeze %dma_wait3A_155 : memref<1x16x2048xf32, #tpu.memory_space<hbm>> -> memref<16x2048xf32, #tpu.memory_space<hbm>>
    %dma_wait3A_157 = arith.constant 0 : i32
    %dma_wait3A_158 = tpu.memref_slice %arg4[%select_n3A, %add3A_121, %dma_wait3A_157] : memref<4x2176x2048xf32, #tpu.memory_space<hbm>> -> memref<1x16x2048xf32, #tpu.memory_space<hbm>>
    %dma_wait3A_159 = tpu.memref_squeeze %dma_wait3A_158 : memref<1x16x2048xf32, #tpu.memory_space<hbm>> -> memref<16x2048xf32, #tpu.memory_space<hbm>>
    tpu.wait_dma2 semaphore(%arg12 : memref<!tpu.dma_semaphore, #tpu.memory_space<semaphore_mem>>) src(%arg6 : memref<16x2048xf32, #tpu.memory_space<vmem>>) dst(%dma_wait3A_159 : memref<16x2048xf32, #tpu.memory_space<hbm>>)
    %dma_start3A_160 = arith.constant 96 : i32
    %dma_start3A_161 = tpu.memref_slice %arg5[%dma_start3A_160] : memref<256xi32, #tpu.memory_space<vmem>> -> memref<16xi32, #tpu.memory_space<vmem>>
    %dma_start3A_162 = arith.constant 0 : i32
    %dma_start3A_163 = arith.constant 0 : i32
    %dma_start3A_164 = tpu.memref_slice %arg3[%dma_start3A_162, %dma_start3A_163] : memref<50257x2048xf32, #tpu.memory_space<hbm>> -> memref<50257x2048xf32, #tpu.memory_space<hbm>>
    tpu.enqueue_indirect_dma source(%dma_start3A_164 : memref<50257x2048xf32, #tpu.memory_space<hbm>>) target(%arg6 : memref<16x2048xf32, #tpu.memory_space<vmem>>) offsets(%dma_start3A_161 : memref<16xi32, #tpu.memory_space<vmem>>) semaphore(%arg9 : memref<!tpu.dma_semaphore, #tpu.memory_space<semaphore_mem>>)
    %dma_wait3A_165 = arith.constant 80 : i32
    %dma_wait3A_166 = tpu.memref_slice %arg5[%dma_wait3A_165] : memref<256xi32, #tpu.memory_space<vmem>> -> memref<16xi32, #tpu.memory_space<vmem>>
    %dma_wait3A_167 = arith.constant 0 : i32
    %dma_wait3A_168 = arith.constant 0 : i32
    %dma_wait3A_169 = tpu.memref_slice %arg3[%dma_wait3A_167, %dma_wait3A_168] : memref<50257x2048xf32, #tpu.memory_space<hbm>> -> memref<50257x2048xf32, #tpu.memory_space<hbm>>
    tpu.wait_indirect_dma semaphore(%arg11 : memref<!tpu.dma_semaphore, #tpu.memory_space<semaphore_mem>>) src(%dma_wait3A_169 : memref<50257x2048xf32, #tpu.memory_space<hbm>>) dst(%arg8 : memref<16x2048xf32, #tpu.memory_space<vmem>>)
    %add3A_170 = arith.constant 128 : i32
    %add3A_171 = arith.addi %add3A_170, %mul3A_32 : i32
    %add3A_172 = arith.constant 80 : i32
    %add3A_173 = arith.addi %add3A_171, %add3A_172 : i32
    %dma_start3A_174 = arith.constant 0 : i32
    %dma_start3A_175 = tpu.memref_slice %arg4[%select_n3A, %add3A_173, %dma_start3A_174] : memref<4x2176x2048xf32, #tpu.memory_space<hbm>> -> memref<1x16x2048xf32, #tpu.memory_space<hbm>>
    %dma_start3A_176 = tpu.memref_squeeze %dma_start3A_175 : memref<1x16x2048xf32, #tpu.memory_space<hbm>> -> memref<16x2048xf32, #tpu.memory_space<hbm>>
    %dma_start3A_177 = arith.constant 0 : i32
    %dma_start3A_178 = tpu.memref_slice %arg4[%select_n3A, %add3A_173, %dma_start3A_177] : memref<4x2176x2048xf32, #tpu.memory_space<hbm>> -> memref<1x16x2048xf32, #tpu.memory_space<hbm>>
    %dma_start3A_179 = tpu.memref_squeeze %dma_start3A_178 : memref<1x16x2048xf32, #tpu.memory_space<hbm>> -> memref<16x2048xf32, #tpu.memory_space<hbm>>
    tpu.enqueue_dma source(%arg8 : memref<16x2048xf32, #tpu.memory_space<vmem>>) target(%dma_start3A_179 : memref<16x2048xf32, #tpu.memory_space<hbm>>) target_semaphore(%arg14 : memref<!tpu.dma_semaphore, #tpu.memory_space<semaphore_mem>>)
    %dma_wait3A_180 = arith.constant 0 : i32
    %dma_wait3A_181 = tpu.memref_slice %arg4[%select_n3A, %add3A_147, %dma_wait3A_180] : memref<4x2176x2048xf32, #tpu.memory_space<hbm>> -> memref<1x16x2048xf32, #tpu.memory_space<hbm>>
    %dma_wait3A_182 = tpu.memref_squeeze %dma_wait3A_181 : memref<1x16x2048xf32, #tpu.memory_space<hbm>> -> memref<16x2048xf32, #tpu.memory_space<hbm>>
    %dma_wait3A_183 = arith.constant 0 : i32
    %dma_wait3A_184 = tpu.memref_slice %arg4[%select_n3A, %add3A_147, %dma_wait3A_183] : memref<4x2176x2048xf32, #tpu.memory_space<hbm>> -> memref<1x16x2048xf32, #tpu.memory_space<hbm>>
    %dma_wait3A_185 = tpu.memref_squeeze %dma_wait3A_184 : memref<1x16x2048xf32, #tpu.memory_space<hbm>> -> memref<16x2048xf32, #tpu.memory_space<hbm>>
    tpu.wait_dma2 semaphore(%arg13 : memref<!tpu.dma_semaphore, #tpu.memory_space<semaphore_mem>>) src(%arg7 : memref<16x2048xf32, #tpu.memory_space<vmem>>) dst(%dma_wait3A_185 : memref<16x2048xf32, #tpu.memory_space<hbm>>)
    %dma_start3A_186 = arith.constant 112 : i32
    %dma_start3A_187 = tpu.memref_slice %arg5[%dma_start3A_186] : memref<256xi32, #tpu.memory_space<vmem>> -> memref<16xi32, #tpu.memory_space<vmem>>
    %dma_start3A_188 = arith.constant 0 : i32
    %dma_start3A_189 = arith.constant 0 : i32
    %dma_start3A_190 = tpu.memref_slice %arg3[%dma_start3A_188, %dma_start3A_189] : memref<50257x2048xf32, #tpu.memory_space<hbm>> -> memref<50257x2048xf32, #tpu.memory_space<hbm>>
    tpu.enqueue_indirect_dma source(%dma_start3A_190 : memref<50257x2048xf32, #tpu.memory_space<hbm>>) target(%arg7 : memref<16x2048xf32, #tpu.memory_space<vmem>>) offsets(%dma_start3A_187 : memref<16xi32, #tpu.memory_space<vmem>>) semaphore(%arg10 : memref<!tpu.dma_semaphore, #tpu.memory_space<semaphore_mem>>)
    %dma_wait3A_191 = arith.constant 96 : i32
    %dma_wait3A_192 = tpu.memref_slice %arg5[%dma_wait3A_191] : memref<256xi32, #tpu.memory_space<vmem>> -> memref<16xi32, #tpu.memory_space<vmem>>
    %dma_wait3A_193 = arith.constant 0 : i32
    %dma_wait3A_194 = arith.constant 0 : i32
    %dma_wait3A_195 = tpu.memref_slice %arg3[%dma_wait3A_193, %dma_wait3A_194] : memref<50257x2048xf32, #tpu.memory_space<hbm>> -> memref<50257x2048xf32, #tpu.memory_space<hbm>>
    tpu.wait_indirect_dma semaphore(%arg9 : memref<!tpu.dma_semaphore, #tpu.memory_space<semaphore_mem>>) src(%dma_wait3A_195 : memref<50257x2048xf32, #tpu.memory_space<hbm>>) dst(%arg6 : memref<16x2048xf32, #tpu.memory_space<vmem>>)
    %add3A_196 = arith.constant 128 : i32
    %add3A_197 = arith.addi %add3A_196, %mul3A_32 : i32
    %add3A_198 = arith.constant 96 : i32
    %add3A_199 = arith.addi %add3A_197, %add3A_198 : i32
    %dma_start3A_200 = arith.constant 0 : i32
    %dma_start3A_201 = tpu.memref_slice %arg4[%select_n3A, %add3A_199, %dma_start3A_200] : memref<4x2176x2048xf32, #tpu.memory_space<hbm>> -> memref<1x16x2048xf32, #tpu.memory_space<hbm>>
    %dma_start3A_202 = tpu.memref_squeeze %dma_start3A_201 : memref<1x16x2048xf32, #tpu.memory_space<hbm>> -> memref<16x2048xf32, #tpu.memory_space<hbm>>
    %dma_start3A_203 = arith.constant 0 : i32
    %dma_start3A_204 = tpu.memref_slice %arg4[%select_n3A, %add3A_199, %dma_start3A_203] : memref<4x2176x2048xf32, #tpu.memory_space<hbm>> -> memref<1x16x2048xf32, #tpu.memory_space<hbm>>
    %dma_start3A_205 = tpu.memref_squeeze %dma_start3A_204 : memref<1x16x2048xf32, #tpu.memory_space<hbm>> -> memref<16x2048xf32, #tpu.memory_space<hbm>>
    tpu.enqueue_dma source(%arg6 : memref<16x2048xf32, #tpu.memory_space<vmem>>) target(%dma_start3A_205 : memref<16x2048xf32, #tpu.memory_space<hbm>>) target_semaphore(%arg12 : memref<!tpu.dma_semaphore, #tpu.memory_space<semaphore_mem>>)
    %dma_wait3A_206 = arith.constant 0 : i32
    %dma_wait3A_207 = tpu.memref_slice %arg4[%select_n3A, %add3A_173, %dma_wait3A_206] : memref<4x2176x2048xf32, #tpu.memory_space<hbm>> -> memref<1x16x2048xf32, #tpu.memory_space<hbm>>
    %dma_wait3A_208 = tpu.memref_squeeze %dma_wait3A_207 : memref<1x16x2048xf32, #tpu.memory_space<hbm>> -> memref<16x2048xf32, #tpu.memory_space<hbm>>
    %dma_wait3A_209 = arith.constant 0 : i32
    %dma_wait3A_210 = tpu.memref_slice %arg4[%select_n3A, %add3A_173, %dma_wait3A_209] : memref<4x2176x2048xf32, #tpu.memory_space<hbm>> -> memref<1x16x2048xf32, #tpu.memory_space<hbm>>
    %dma_wait3A_211 = tpu.memref_squeeze %dma_wait3A_210 : memref<1x16x2048xf32, #tpu.memory_space<hbm>> -> memref<16x2048xf32, #tpu.memory_space<hbm>>
    tpu.wait_dma2 semaphore(%arg14 : memref<!tpu.dma_semaphore, #tpu.memory_space<semaphore_mem>>) src(%arg8 : memref<16x2048xf32, #tpu.memory_space<vmem>>) dst(%dma_wait3A_211 : memref<16x2048xf32, #tpu.memory_space<hbm>>)
    %dma_start3A_212 = arith.constant 128 : i32
    %dma_start3A_213 = tpu.memref_slice %arg5[%dma_start3A_212] : memref<256xi32, #tpu.memory_space<vmem>> -> memref<16xi32, #tpu.memory_space<vmem>>
    %dma_start3A_214 = arith.constant 0 : i32
    %dma_start3A_215 = arith.constant 0 : i32
    %dma_start3A_216 = tpu.memref_slice %arg3[%dma_start3A_214, %dma_start3A_215] : memref<50257x2048xf32, #tpu.memory_space<hbm>> -> memref<50257x2048xf32, #tpu.memory_space<hbm>>
    tpu.enqueue_indirect_dma source(%dma_start3A_216 : memref<50257x2048xf32, #tpu.memory_space<hbm>>) target(%arg8 : memref<16x2048xf32, #tpu.memory_space<vmem>>) offsets(%dma_start3A_213 : memref<16xi32, #tpu.memory_space<vmem>>) semaphore(%arg11 : memref<!tpu.dma_semaphore, #tpu.memory_space<semaphore_mem>>)
    %dma_wait3A_217 = arith.constant 112 : i32
    %dma_wait3A_218 = tpu.memref_slice %arg5[%dma_wait3A_217] : memref<256xi32, #tpu.memory_space<vmem>> -> memref<16xi32, #tpu.memory_space<vmem>>
    %dma_wait3A_219 = arith.constant 0 : i32
    %dma_wait3A_220 = arith.constant 0 : i32
    %dma_wait3A_221 = tpu.memref_slice %arg3[%dma_wait3A_219, %dma_wait3A_220] : memref<50257x2048xf32, #tpu.memory_space<hbm>> -> memref<50257x2048xf32, #tpu.memory_space<hbm>>
    tpu.wait_indirect_dma semaphore(%arg10 : memref<!tpu.dma_semaphore, #tpu.memory_space<semaphore_mem>>) src(%dma_wait3A_221 : memref<50257x2048xf32, #tpu.memory_space<hbm>>) dst(%arg7 : memref<16x2048xf32, #tpu.memory_space<vmem>>)
    %add3A_222 = arith.constant 128 : i32
    %add3A_223 = arith.addi %add3A_222, %mul3A_32 : i32
    %add3A_224 = arith.constant 112 : i32
    %add3A_225 = arith.addi %add3A_223, %add3A_224 : i32
    %dma_start3A_226 = arith.constant 0 : i32
    %dma_start3A_227 = tpu.memref_slice %arg4[%select_n3A, %add3A_225, %dma_start3A_226] : memref<4x2176x2048xf32, #tpu.memory_space<hbm>> -> memref<1x16x2048xf32, #tpu.memory_space<hbm>>
    %dma_start3A_228 = tpu.memref_squeeze %dma_start3A_227 : memref<1x16x2048xf32, #tpu.memory_space<hbm>> -> memref<16x2048xf32, #tpu.memory_space<hbm>>
    %dma_start3A_229 = arith.constant 0 : i32
    %dma_start3A_230 = tpu.memref_slice %arg4[%select_n3A, %add3A_225, %dma_start3A_229] : memref<4x2176x2048xf32, #tpu.memory_space<hbm>> -> memref<1x16x2048xf32, #tpu.memory_space<hbm>>
    %dma_start3A_231 = tpu.memref_squeeze %dma_start3A_230 : memref<1x16x2048xf32, #tpu.memory_space<hbm>> -> memref<16x2048xf32, #tpu.memory_space<hbm>>
    tpu.enqueue_dma source(%arg7 : memref<16x2048xf32, #tpu.memory_space<vmem>>) target(%dma_start3A_231 : memref<16x2048xf32, #tpu.memory_space<hbm>>) target_semaphore(%arg13 : memref<!tpu.dma_semaphore, #tpu.memory_space<semaphore_mem>>)
    %dma_wait3A_232 = arith.constant 0 : i32
    %dma_wait3A_233 = tpu.memref_slice %arg4[%select_n3A, %add3A_199, %dma_wait3A_232] : memref<4x2176x2048xf32, #tpu.memory_space<hbm>> -> memref<1x16x2048xf32, #tpu.memory_space<hbm>>
    %dma_wait3A_234 = tpu.memref_squeeze %dma_wait3A_233 : memref<1x16x2048xf32, #tpu.memory_space<hbm>> -> memref<16x2048xf32, #tpu.memory_space<hbm>>
    %dma_wait3A_235 = arith.constant 0 : i32
    %dma_wait3A_236 = tpu.memref_slice %arg4[%select_n3A, %add3A_199, %dma_wait3A_235] : memref<4x2176x2048xf32, #tpu.memory_space<hbm>> -> memref<1x16x2048xf32, #tpu.memory_space<hbm>>
    %dma_wait3A_237 = tpu.memref_squeeze %dma_wait3A_236 : memref<1x16x2048xf32, #tpu.memory_space<hbm>> -> memref<16x2048xf32, #tpu.memory_space<hbm>>
    tpu.wait_dma2 semaphore(%arg12 : memref<!tpu.dma_semaphore, #tpu.memory_space<semaphore_mem>>) src(%arg6 : memref<16x2048xf32, #tpu.memory_space<vmem>>) dst(%dma_wait3A_237 : memref<16x2048xf32, #tpu.memory_space<hbm>>)
    %dma_start3A_238 = arith.constant 144 : i32
    %dma_start3A_239 = tpu.memref_slice %arg5[%dma_start3A_238] : memref<256xi32, #tpu.memory_space<vmem>> -> memref<16xi32, #tpu.memory_space<vmem>>
    %dma_start3A_240 = arith.constant 0 : i32
    %dma_start3A_241 = arith.constant 0 : i32
    %dma_start3A_242 = tpu.memref_slice %arg3[%dma_start3A_240, %dma_start3A_241] : memref<50257x2048xf32, #tpu.memory_space<hbm>> -> memref<50257x2048xf32, #tpu.memory_space<hbm>>
    tpu.enqueue_indirect_dma source(%dma_start3A_242 : memref<50257x2048xf32, #tpu.memory_space<hbm>>) target(%arg6 : memref<16x2048xf32, #tpu.memory_space<vmem>>) offsets(%dma_start3A_239 : memref<16xi32, #tpu.memory_space<vmem>>) semaphore(%arg9 : memref<!tpu.dma_semaphore, #tpu.memory_space<semaphore_mem>>)
    %dma_wait3A_243 = arith.constant 128 : i32
    %dma_wait3A_244 = tpu.memref_slice %arg5[%dma_wait3A_243] : memref<256xi32, #tpu.memory_space<vmem>> -> memref<16xi32, #tpu.memory_space<vmem>>
    %dma_wait3A_245 = arith.constant 0 : i32
    %dma_wait3A_246 = arith.constant 0 : i32
    %dma_wait3A_247 = tpu.memref_slice %arg3[%dma_wait3A_245, %dma_wait3A_246] : memref<50257x2048xf32, #tpu.memory_space<hbm>> -> memref<50257x2048xf32, #tpu.memory_space<hbm>>
    tpu.wait_indirect_dma semaphore(%arg11 : memref<!tpu.dma_semaphore, #tpu.memory_space<semaphore_mem>>) src(%dma_wait3A_247 : memref<50257x2048xf32, #tpu.memory_space<hbm>>) dst(%arg8 : memref<16x2048xf32, #tpu.memory_space<vmem>>)
    %add3A_248 = arith.constant 128 : i32
    %add3A_249 = arith.addi %add3A_248, %mul3A_32 : i32
    %add3A_250 = arith.constant 128 : i32
    %add3A_251 = arith.addi %add3A_249, %add3A_250 : i32
    %dma_start3A_252 = arith.constant 0 : i32
    %dma_start3A_253 = tpu.memref_slice %arg4[%select_n3A, %add3A_251, %dma_start3A_252] : memref<4x2176x2048xf32, #tpu.memory_space<hbm>> -> memref<1x16x2048xf32, #tpu.memory_space<hbm>>
    %dma_start3A_254 = tpu.memref_squeeze %dma_start3A_253 : memref<1x16x2048xf32, #tpu.memory_space<hbm>> -> memref<16x2048xf32, #tpu.memory_space<hbm>>
    %dma_start3A_255 = arith.constant 0 : i32
    %dma_start3A_256 = tpu.memref_slice %arg4[%select_n3A, %add3A_251, %dma_start3A_255] : memref<4x2176x2048xf32, #tpu.memory_space<hbm>> -> memref<1x16x2048xf32, #tpu.memory_space<hbm>>
    %dma_start3A_257 = tpu.memref_squeeze %dma_start3A_256 : memref<1x16x2048xf32, #tpu.memory_space<hbm>> -> memref<16x2048xf32, #tpu.memory_space<hbm>>
    tpu.enqueue_dma source(%arg8 : memref<16x2048xf32, #tpu.memory_space<vmem>>) target(%dma_start3A_257 : memref<16x2048xf32, #tpu.memory_space<hbm>>) target_semaphore(%arg14 : memref<!tpu.dma_semaphore, #tpu.memory_space<semaphore_mem>>)
    %dma_wait3A_258 = arith.constant 0 : i32
    %dma_wait3A_259 = tpu.memref_slice %arg4[%select_n3A, %add3A_225, %dma_wait3A_258] : memref<4x2176x2048xf32, #tpu.memory_space<hbm>> -> memref<1x16x2048xf32, #tpu.memory_space<hbm>>
    %dma_wait3A_260 = tpu.memref_squeeze %dma_wait3A_259 : memref<1x16x2048xf32, #tpu.memory_space<hbm>> -> memref<16x2048xf32, #tpu.memory_space<hbm>>
    %dma_wait3A_261 = arith.constant 0 : i32
    %dma_wait3A_262 = tpu.memref_slice %arg4[%select_n3A, %add3A_225, %dma_wait3A_261] : memref<4x2176x2048xf32, #tpu.memory_space<hbm>> -> memref<1x16x2048xf32, #tpu.memory_space<hbm>>
    %dma_wait3A_263 = tpu.memref_squeeze %dma_wait3A_262 : memref<1x16x2048xf32, #tpu.memory_space<hbm>> -> memref<16x2048xf32, #tpu.memory_space<hbm>>
    tpu.wait_dma2 semaphore(%arg13 : memref<!tpu.dma_semaphore, #tpu.memory_space<semaphore_mem>>) src(%arg7 : memref<16x2048xf32, #tpu.memory_space<vmem>>) dst(%dma_wait3A_263 : memref<16x2048xf32, #tpu.memory_space<hbm>>)
    %dma_start3A_264 = arith.constant 160 : i32
    %dma_start3A_265 = tpu.memref_slice %arg5[%dma_start3A_264] : memref<256xi32, #tpu.memory_space<vmem>> -> memref<16xi32, #tpu.memory_space<vmem>>
    %dma_start3A_266 = arith.constant 0 : i32
    %dma_start3A_267 = arith.constant 0 : i32
    %dma_start3A_268 = tpu.memref_slice %arg3[%dma_start3A_266, %dma_start3A_267] : memref<50257x2048xf32, #tpu.memory_space<hbm>> -> memref<50257x2048xf32, #tpu.memory_space<hbm>>
    tpu.enqueue_indirect_dma source(%dma_start3A_268 : memref<50257x2048xf32, #tpu.memory_space<hbm>>) target(%arg7 : memref<16x2048xf32, #tpu.memory_space<vmem>>) offsets(%dma_start3A_265 : memref<16xi32, #tpu.memory_space<vmem>>) semaphore(%arg10 : memref<!tpu.dma_semaphore, #tpu.memory_space<semaphore_mem>>)
    %dma_wait3A_269 = arith.constant 144 : i32
    %dma_wait3A_270 = tpu.memref_slice %arg5[%dma_wait3A_269] : memref<256xi32, #tpu.memory_space<vmem>> -> memref<16xi32, #tpu.memory_space<vmem>>
    %dma_wait3A_271 = arith.constant 0 : i32
    %dma_wait3A_272 = arith.constant 0 : i32
    %dma_wait3A_273 = tpu.memref_slice %arg3[%dma_wait3A_271, %dma_wait3A_272] : memref<50257x2048xf32, #tpu.memory_space<hbm>> -> memref<50257x2048xf32, #tpu.memory_space<hbm>>
    tpu.wait_indirect_dma semaphore(%arg9 : memref<!tpu.dma_semaphore, #tpu.memory_space<semaphore_mem>>) src(%dma_wait3A_273 : memref<50257x2048xf32, #tpu.memory_space<hbm>>) dst(%arg6 : memref<16x2048xf32, #tpu.memory_space<vmem>>)
    %add3A_274 = arith.constant 128 : i32
    %add3A_275 = arith.addi %add3A_274, %mul3A_32 : i32
    %add3A_276 = arith.constant 144 : i32
    %add3A_277 = arith.addi %add3A_275, %add3A_276 : i32
    %dma_start3A_278 = arith.constant 0 : i32
    %dma_start3A_279 = tpu.memref_slice %arg4[%select_n3A, %add3A_277, %dma_start3A_278] : memref<4x2176x2048xf32, #tpu.memory_space<hbm>> -> memref<1x16x2048xf32, #tpu.memory_space<hbm>>
    %dma_start3A_280 = tpu.memref_squeeze %dma_start3A_279 : memref<1x16x2048xf32, #tpu.memory_space<hbm>> -> memref<16x2048xf32, #tpu.memory_space<hbm>>
    %dma_start3A_281 = arith.constant 0 : i32
    %dma_start3A_282 = tpu.memref_slice %arg4[%select_n3A, %add3A_277, %dma_start3A_281] : memref<4x2176x2048xf32, #tpu.memory_space<hbm>> -> memref<1x16x2048xf32, #tpu.memory_space<hbm>>
    %dma_start3A_283 = tpu.memref_squeeze %dma_start3A_282 : memref<1x16x2048xf32, #tpu.memory_space<hbm>> -> memref<16x2048xf32, #tpu.memory_space<hbm>>
    tpu.enqueue_dma source(%arg6 : memref<16x2048xf32, #tpu.memory_space<vmem>>) target(%dma_start3A_283 : memref<16x2048xf32, #tpu.memory_space<hbm>>) target_semaphore(%arg12 : memref<!tpu.dma_semaphore, #tpu.memory_space<semaphore_mem>>)
    %dma_wait3A_284 = arith.constant 0 : i32
    %dma_wait3A_285 = tpu.memref_slice %arg4[%select_n3A, %add3A_251, %dma_wait3A_284] : memref<4x2176x2048xf32, #tpu.memory_space<hbm>> -> memref<1x16x2048xf32, #tpu.memory_space<hbm>>
    %dma_wait3A_286 = tpu.memref_squeeze %dma_wait3A_285 : memref<1x16x2048xf32, #tpu.memory_space<hbm>> -> memref<16x2048xf32, #tpu.memory_space<hbm>>
    %dma_wait3A_287 = arith.constant 0 : i32
    %dma_wait3A_288 = tpu.memref_slice %arg4[%select_n3A, %add3A_251, %dma_wait3A_287] : memref<4x2176x2048xf32, #tpu.memory_space<hbm>> -> memref<1x16x2048xf32, #tpu.memory_space<hbm>>
    %dma_wait3A_289 = tpu.memref_squeeze %dma_wait3A_288 : memref<1x16x2048xf32, #tpu.memory_space<hbm>> -> memref<16x2048xf32, #tpu.memory_space<hbm>>
    tpu.wait_dma2 semaphore(%arg14 : memref<!tpu.dma_semaphore, #tpu.memory_space<semaphore_mem>>) src(%arg8 : memref<16x2048xf32, #tpu.memory_space<vmem>>) dst(%dma_wait3A_289 : memref<16x2048xf32, #tpu.memory_space<hbm>>)
    %dma_start3A_290 = arith.constant 176 : i32
    %dma_start3A_291 = tpu.memref_slice %arg5[%dma_start3A_290] : memref<256xi32, #tpu.memory_space<vmem>> -> memref<16xi32, #tpu.memory_space<vmem>>
    %dma_start3A_292 = arith.constant 0 : i32
    %dma_start3A_293 = arith.constant 0 : i32
    %dma_start3A_294 = tpu.memref_slice %arg3[%dma_start3A_292, %dma_start3A_293] : memref<50257x2048xf32, #tpu.memory_space<hbm>> -> memref<50257x2048xf32, #tpu.memory_space<hbm>>
    tpu.enqueue_indirect_dma source(%dma_start3A_294 : memref<50257x2048xf32, #tpu.memory_space<hbm>>) target(%arg8 : memref<16x2048xf32, #tpu.memory_space<vmem>>) offsets(%dma_start3A_291 : memref<16xi32, #tpu.memory_space<vmem>>) semaphore(%arg11 : memref<!tpu.dma_semaphore, #tpu.memory_space<semaphore_mem>>)
    %dma_wait3A_295 = arith.constant 160 : i32
    %dma_wait3A_296 = tpu.memref_slice %arg5[%dma_wait3A_295] : memref<256xi32, #tpu.memory_space<vmem>> -> memref<16xi32, #tpu.memory_space<vmem>>
    %dma_wait3A_297 = arith.constant 0 : i32
    %dma_wait3A_298 = arith.constant 0 : i32
    %dma_wait3A_299 = tpu.memref_slice %arg3[%dma_wait3A_297, %dma_wait3A_298] : memref<50257x2048xf32, #tpu.memory_space<hbm>> -> memref<50257x2048xf32, #tpu.memory_space<hbm>>
    tpu.wait_indirect_dma semaphore(%arg10 : memref<!tpu.dma_semaphore, #tpu.memory_space<semaphore_mem>>) src(%dma_wait3A_299 : memref<50257x2048xf32, #tpu.memory_space<hbm>>) dst(%arg7 : memref<16x2048xf32, #tpu.memory_space<vmem>>)
    %add3A_300 = arith.constant 128 : i32
    %add3A_301 = arith.addi %add3A_300, %mul3A_32 : i32
    %add3A_302 = arith.constant 160 : i32
    %add3A_303 = arith.addi %add3A_301, %add3A_302 : i32
    %dma_start3A_304 = arith.constant 0 : i32
    %dma_start3A_305 = tpu.memref_slice %arg4[%select_n3A, %add3A_303, %dma_start3A_304] : memref<4x2176x2048xf32, #tpu.memory_space<hbm>> -> memref<1x16x2048xf32, #tpu.memory_space<hbm>>
    %dma_start3A_306 = tpu.memref_squeeze %dma_start3A_305 : memref<1x16x2048xf32, #tpu.memory_space<hbm>> -> memref<16x2048xf32, #tpu.memory_space<hbm>>
    %dma_start3A_307 = arith.constant 0 : i32
    %dma_start3A_308 = tpu.memref_slice %arg4[%select_n3A, %add3A_303, %dma_start3A_307] : memref<4x2176x2048xf32, #tpu.memory_space<hbm>> -> memref<1x16x2048xf32, #tpu.memory_space<hbm>>
    %dma_start3A_309 = tpu.memref_squeeze %dma_start3A_308 : memref<1x16x2048xf32, #tpu.memory_space<hbm>> -> memref<16x2048xf32, #tpu.memory_space<hbm>>
    tpu.enqueue_dma source(%arg7 : memref<16x2048xf32, #tpu.memory_space<vmem>>) target(%dma_start3A_309 : memref<16x2048xf32, #tpu.memory_space<hbm>>) target_semaphore(%arg13 : memref<!tpu.dma_semaphore, #tpu.memory_space<semaphore_mem>>)
    %dma_wait3A_310 = arith.constant 0 : i32
    %dma_wait3A_311 = tpu.memref_slice %arg4[%select_n3A, %add3A_277, %dma_wait3A_310] : memref<4x2176x2048xf32, #tpu.memory_space<hbm>> -> memref<1x16x2048xf32, #tpu.memory_space<hbm>>
    %dma_wait3A_312 = tpu.memref_squeeze %dma_wait3A_311 : memref<1x16x2048xf32, #tpu.memory_space<hbm>> -> memref<16x2048xf32, #tpu.memory_space<hbm>>
    %dma_wait3A_313 = arith.constant 0 : i32
    %dma_wait3A_314 = tpu.memref_slice %arg4[%select_n3A, %add3A_277, %dma_wait3A_313] : memref<4x2176x2048xf32, #tpu.memory_space<hbm>> -> memref<1x16x2048xf32, #tpu.memory_space<hbm>>
    %dma_wait3A_315 = tpu.memref_squeeze %dma_wait3A_314 : memref<1x16x2048xf32, #tpu.memory_space<hbm>> -> memref<16x2048xf32, #tpu.memory_space<hbm>>
    tpu.wait_dma2 semaphore(%arg12 : memref<!tpu.dma_semaphore, #tpu.memory_space<semaphore_mem>>) src(%arg6 : memref<16x2048xf32, #tpu.memory_space<vmem>>) dst(%dma_wait3A_315 : memref<16x2048xf32, #tpu.memory_space<hbm>>)
    %dma_start3A_316 = arith.constant 192 : i32
    %dma_start3A_317 = tpu.memref_slice %arg5[%dma_start3A_316] : memref<256xi32, #tpu.memory_space<vmem>> -> memref<16xi32, #tpu.memory_space<vmem>>
    %dma_start3A_318 = arith.constant 0 : i32
    %dma_start3A_319 = arith.constant 0 : i32
    %dma_start3A_320 = tpu.memref_slice %arg3[%dma_start3A_318, %dma_start3A_319] : memref<50257x2048xf32, #tpu.memory_space<hbm>> -> memref<50257x2048xf32, #tpu.memory_space<hbm>>
    tpu.enqueue_indirect_dma source(%dma_start3A_320 : memref<50257x2048xf32, #tpu.memory_space<hbm>>) target(%arg6 : memref<16x2048xf32, #tpu.memory_space<vmem>>) offsets(%dma_start3A_317 : memref<16xi32, #tpu.memory_space<vmem>>) semaphore(%arg9 : memref<!tpu.dma_semaphore, #tpu.memory_space<semaphore_mem>>)
    %dma_wait3A_321 = arith.constant 176 : i32
    %dma_wait3A_322 = tpu.memref_slice %arg5[%dma_wait3A_321] : memref<256xi32, #tpu.memory_space<vmem>> -> memref<16xi32, #tpu.memory_space<vmem>>
    %dma_wait3A_323 = arith.constant 0 : i32
    %dma_wait3A_324 = arith.constant 0 : i32
    %dma_wait3A_325 = tpu.memref_slice %arg3[%dma_wait3A_323, %dma_wait3A_324] : memref<50257x2048xf32, #tpu.memory_space<hbm>> -> memref<50257x2048xf32, #tpu.memory_space<hbm>>
    tpu.wait_indirect_dma semaphore(%arg11 : memref<!tpu.dma_semaphore, #tpu.memory_space<semaphore_mem>>) src(%dma_wait3A_325 : memref<50257x2048xf32, #tpu.memory_space<hbm>>) dst(%arg8 : memref<16x2048xf32, #tpu.memory_space<vmem>>)
    %add3A_326 = arith.constant 128 : i32
    %add3A_327 = arith.addi %add3A_326, %mul3A_32 : i32
    %add3A_328 = arith.constant 176 : i32
    %add3A_329 = arith.addi %add3A_327, %add3A_328 : i32
    %dma_start3A_330 = arith.constant 0 : i32
    %dma_start3A_331 = tpu.memref_slice %arg4[%select_n3A, %add3A_329, %dma_start3A_330] : memref<4x2176x2048xf32, #tpu.memory_space<hbm>> -> memref<1x16x2048xf32, #tpu.memory_space<hbm>>
    %dma_start3A_332 = tpu.memref_squeeze %dma_start3A_331 : memref<1x16x2048xf32, #tpu.memory_space<hbm>> -> memref<16x2048xf32, #tpu.memory_space<hbm>>
    %dma_start3A_333 = arith.constant 0 : i32
    %dma_start3A_334 = tpu.memref_slice %arg4[%select_n3A, %add3A_329, %dma_start3A_333] : memref<4x2176x2048xf32, #tpu.memory_space<hbm>> -> memref<1x16x2048xf32, #tpu.memory_space<hbm>>
    %dma_start3A_335 = tpu.memref_squeeze %dma_start3A_334 : memref<1x16x2048xf32, #tpu.memory_space<hbm>> -> memref<16x2048xf32, #tpu.memory_space<hbm>>
    tpu.enqueue_dma source(%arg8 : memref<16x2048xf32, #tpu.memory_space<vmem>>) target(%dma_start3A_335 : memref<16x2048xf32, #tpu.memory_space<hbm>>) target_semaphore(%arg14 : memref<!tpu.dma_semaphore, #tpu.memory_space<semaphore_mem>>)
    %dma_wait3A_336 = arith.constant 0 : i32
    %dma_wait3A_337 = tpu.memref_slice %arg4[%select_n3A, %add3A_303, %dma_wait3A_336] : memref<4x2176x2048xf32, #tpu.memory_space<hbm>> -> memref<1x16x2048xf32, #tpu.memory_space<hbm>>
    %dma_wait3A_338 = tpu.memref_squeeze %dma_wait3A_337 : memref<1x16x2048xf32, #tpu.memory_space<hbm>> -> memref<16x2048xf32, #tpu.memory_space<hbm>>
    %dma_wait3A_339 = arith.constant 0 : i32
    %dma_wait3A_340 = tpu.memref_slice %arg4[%select_n3A, %add3A_303, %dma_wait3A_339] : memref<4x2176x2048xf32, #tpu.memory_space<hbm>> -> memref<1x16x2048xf32, #tpu.memory_space<hbm>>
    %dma_wait3A_341 = tpu.memref_squeeze %dma_wait3A_340 : memref<1x16x2048xf32, #tpu.memory_space<hbm>> -> memref<16x2048xf32, #tpu.memory_space<hbm>>
    tpu.wait_dma2 semaphore(%arg13 : memref<!tpu.dma_semaphore, #tpu.memory_space<semaphore_mem>>) src(%arg7 : memref<16x2048xf32, #tpu.memory_space<vmem>>) dst(%dma_wait3A_341 : memref<16x2048xf32, #tpu.memory_space<hbm>>)
    %dma_start3A_342 = arith.constant 208 : i32
    %dma_start3A_343 = tpu.memref_slice %arg5[%dma_start3A_342] : memref<256xi32, #tpu.memory_space<vmem>> -> memref<16xi32, #tpu.memory_space<vmem>>
    %dma_start3A_344 = arith.constant 0 : i32
    %dma_start3A_345 = arith.constant 0 : i32
    %dma_start3A_346 = tpu.memref_slice %arg3[%dma_start3A_344, %dma_start3A_345] : memref<50257x2048xf32, #tpu.memory_space<hbm>> -> memref<50257x2048xf32, #tpu.memory_space<hbm>>
    tpu.enqueue_indirect_dma source(%dma_start3A_346 : memref<50257x2048xf32, #tpu.memory_space<hbm>>) target(%arg7 : memref<16x2048xf32, #tpu.memory_space<vmem>>) offsets(%dma_start3A_343 : memref<16xi32, #tpu.memory_space<vmem>>) semaphore(%arg10 : memref<!tpu.dma_semaphore, #tpu.memory_space<semaphore_mem>>)
    %dma_wait3A_347 = arith.constant 192 : i32
    %dma_wait3A_348 = tpu.memref_slice %arg5[%dma_wait3A_347] : memref<256xi32, #tpu.memory_space<vmem>> -> memref<16xi32, #tpu.memory_space<vmem>>
    %dma_wait3A_349 = arith.constant 0 : i32
    %dma_wait3A_350 = arith.constant 0 : i32
    %dma_wait3A_351 = tpu.memref_slice %arg3[%dma_wait3A_349, %dma_wait3A_350] : memref<50257x2048xf32, #tpu.memory_space<hbm>> -> memref<50257x2048xf32, #tpu.memory_space<hbm>>
    tpu.wait_indirect_dma semaphore(%arg9 : memref<!tpu.dma_semaphore, #tpu.memory_space<semaphore_mem>>) src(%dma_wait3A_351 : memref<50257x2048xf32, #tpu.memory_space<hbm>>) dst(%arg6 : memref<16x2048xf32, #tpu.memory_space<vmem>>)
    %add3A_352 = arith.constant 128 : i32
    %add3A_353 = arith.addi %add3A_352, %mul3A_32 : i32
    %add3A_354 = arith.constant 192 : i32
    %add3A_355 = arith.addi %add3A_353, %add3A_354 : i32
    %dma_start3A_356 = arith.constant 0 : i32
    %dma_start3A_357 = tpu.memref_slice %arg4[%select_n3A, %add3A_355, %dma_start3A_356] : memref<4x2176x2048xf32, #tpu.memory_space<hbm>> -> memref<1x16x2048xf32, #tpu.memory_space<hbm>>
    %dma_start3A_358 = tpu.memref_squeeze %dma_start3A_357 : memref<1x16x2048xf32, #tpu.memory_space<hbm>> -> memref<16x2048xf32, #tpu.memory_space<hbm>>
    %dma_start3A_359 = arith.constant 0 : i32
    %dma_start3A_360 = tpu.memref_slice %arg4[%select_n3A, %add3A_355, %dma_start3A_359] : memref<4x2176x2048xf32, #tpu.memory_space<hbm>> -> memref<1x16x2048xf32, #tpu.memory_space<hbm>>
    %dma_start3A_361 = tpu.memref_squeeze %dma_start3A_360 : memref<1x16x2048xf32, #tpu.memory_space<hbm>> -> memref<16x2048xf32, #tpu.memory_space<hbm>>
    tpu.enqueue_dma source(%arg6 : memref<16x2048xf32, #tpu.memory_space<vmem>>) target(%dma_start3A_361 : memref<16x2048xf32, #tpu.memory_space<hbm>>) target_semaphore(%arg12 : memref<!tpu.dma_semaphore, #tpu.memory_space<semaphore_mem>>)
    %dma_wait3A_362 = arith.constant 0 : i32
    %dma_wait3A_363 = tpu.memref_slice %arg4[%select_n3A, %add3A_329, %dma_wait3A_362] : memref<4x2176x2048xf32, #tpu.memory_space<hbm>> -> memref<1x16x2048xf32, #tpu.memory_space<hbm>>
    %dma_wait3A_364 = tpu.memref_squeeze %dma_wait3A_363 : memref<1x16x2048xf32, #tpu.memory_space<hbm>> -> memref<16x2048xf32, #tpu.memory_space<hbm>>
    %dma_wait3A_365 = arith.constant 0 : i32
    %dma_wait3A_366 = tpu.memref_slice %arg4[%select_n3A, %add3A_329, %dma_wait3A_365] : memref<4x2176x2048xf32, #tpu.memory_space<hbm>> -> memref<1x16x2048xf32, #tpu.memory_space<hbm>>
    %dma_wait3A_367 = tpu.memref_squeeze %dma_wait3A_366 : memref<1x16x2048xf32, #tpu.memory_space<hbm>> -> memref<16x2048xf32, #tpu.memory_space<hbm>>
    tpu.wait_dma2 semaphore(%arg14 : memref<!tpu.dma_semaphore, #tpu.memory_space<semaphore_mem>>) src(%arg8 : memref<16x2048xf32, #tpu.memory_space<vmem>>) dst(%dma_wait3A_367 : memref<16x2048xf32, #tpu.memory_space<hbm>>)
    %dma_start3A_368 = arith.constant 224 : i32
    %dma_start3A_369 = tpu.memref_slice %arg5[%dma_start3A_368] : memref<256xi32, #tpu.memory_space<vmem>> -> memref<16xi32, #tpu.memory_space<vmem>>
    %dma_start3A_370 = arith.constant 0 : i32
    %dma_start3A_371 = arith.constant 0 : i32
    %dma_start3A_372 = tpu.memref_slice %arg3[%dma_start3A_370, %dma_start3A_371] : memref<50257x2048xf32, #tpu.memory_space<hbm>> -> memref<50257x2048xf32, #tpu.memory_space<hbm>>
    tpu.enqueue_indirect_dma source(%dma_start3A_372 : memref<50257x2048xf32, #tpu.memory_space<hbm>>) target(%arg8 : memref<16x2048xf32, #tpu.memory_space<vmem>>) offsets(%dma_start3A_369 : memref<16xi32, #tpu.memory_space<vmem>>) semaphore(%arg11 : memref<!tpu.dma_semaphore, #tpu.memory_space<semaphore_mem>>)
    %dma_wait3A_373 = arith.constant 208 : i32
    %dma_wait3A_374 = tpu.memref_slice %arg5[%dma_wait3A_373] : memref<256xi32, #tpu.memory_space<vmem>> -> memref<16xi32, #tpu.memory_space<vmem>>
    %dma_wait3A_375 = arith.constant 0 : i32
    %dma_wait3A_376 = arith.constant 0 : i32
    %dma_wait3A_377 = tpu.memref_slice %arg3[%dma_wait3A_375, %dma_wait3A_376] : memref<50257x2048xf32, #tpu.memory_space<hbm>> -> memref<50257x2048xf32, #tpu.memory_space<hbm>>
    tpu.wait_indirect_dma semaphore(%arg10 : memref<!tpu.dma_semaphore, #tpu.memory_space<semaphore_mem>>) src(%dma_wait3A_377 : memref<50257x2048xf32, #tpu.memory_space<hbm>>) dst(%arg7 : memref<16x2048xf32, #tpu.memory_space<vmem>>)
    %add3A_378 = arith.constant 128 : i32
    %add3A_379 = arith.addi %add3A_378, %mul3A_32 : i32
    %add3A_380 = arith.constant 208 : i32
    %add3A_381 = arith.addi %add3A_379, %add3A_380 : i32
    %dma_start3A_382 = arith.constant 0 : i32
    %dma_start3A_383 = tpu.memref_slice %arg4[%select_n3A, %add3A_381, %dma_start3A_382] : memref<4x2176x2048xf32, #tpu.memory_space<hbm>> -> memref<1x16x2048xf32, #tpu.memory_space<hbm>>
    %dma_start3A_384 = tpu.memref_squeeze %dma_start3A_383 : memref<1x16x2048xf32, #tpu.memory_space<hbm>> -> memref<16x2048xf32, #tpu.memory_space<hbm>>
    %dma_start3A_385 = arith.constant 0 : i32
    %dma_start3A_386 = tpu.memref_slice %arg4[%select_n3A, %add3A_381, %dma_start3A_385] : memref<4x2176x2048xf32, #tpu.memory_space<hbm>> -> memref<1x16x2048xf32, #tpu.memory_space<hbm>>
    %dma_start3A_387 = tpu.memref_squeeze %dma_start3A_386 : memref<1x16x2048xf32, #tpu.memory_space<hbm>> -> memref<16x2048xf32, #tpu.memory_space<hbm>>
    tpu.enqueue_dma source(%arg7 : memref<16x2048xf32, #tpu.memory_space<vmem>>) target(%dma_start3A_387 : memref<16x2048xf32, #tpu.memory_space<hbm>>) target_semaphore(%arg13 : memref<!tpu.dma_semaphore, #tpu.memory_space<semaphore_mem>>)
    %dma_wait3A_388 = arith.constant 0 : i32
    %dma_wait3A_389 = tpu.memref_slice %arg4[%select_n3A, %add3A_355, %dma_wait3A_388] : memref<4x2176x2048xf32, #tpu.memory_space<hbm>> -> memref<1x16x2048xf32, #tpu.memory_space<hbm>>
    %dma_wait3A_390 = tpu.memref_squeeze %dma_wait3A_389 : memref<1x16x2048xf32, #tpu.memory_space<hbm>> -> memref<16x2048xf32, #tpu.memory_space<hbm>>
    %dma_wait3A_391 = arith.constant 0 : i32
    %dma_wait3A_392 = tpu.memref_slice %arg4[%select_n3A, %add3A_355, %dma_wait3A_391] : memref<4x2176x2048xf32, #tpu.memory_space<hbm>> -> memref<1x16x2048xf32, #tpu.memory_space<hbm>>
    %dma_wait3A_393 = tpu.memref_squeeze %dma_wait3A_392 : memref<1x16x2048xf32, #tpu.memory_space<hbm>> -> memref<16x2048xf32, #tpu.memory_space<hbm>>
    tpu.wait_dma2 semaphore(%arg12 : memref<!tpu.dma_semaphore, #tpu.memory_space<semaphore_mem>>) src(%arg6 : memref<16x2048xf32, #tpu.memory_space<vmem>>) dst(%dma_wait3A_393 : memref<16x2048xf32, #tpu.memory_space<hbm>>)
    %dma_start3A_394 = arith.constant 240 : i32
    %dma_start3A_395 = tpu.memref_slice %arg5[%dma_start3A_394] : memref<256xi32, #tpu.memory_space<vmem>> -> memref<16xi32, #tpu.memory_space<vmem>>
    %dma_start3A_396 = arith.constant 0 : i32
    %dma_start3A_397 = arith.constant 0 : i32
    %dma_start3A_398 = tpu.memref_slice %arg3[%dma_start3A_396, %dma_start3A_397] : memref<50257x2048xf32, #tpu.memory_space<hbm>> -> memref<50257x2048xf32, #tpu.memory_space<hbm>>
    tpu.enqueue_indirect_dma source(%dma_start3A_398 : memref<50257x2048xf32, #tpu.memory_space<hbm>>) target(%arg6 : memref<16x2048xf32, #tpu.memory_space<vmem>>) offsets(%dma_start3A_395 : memref<16xi32, #tpu.memory_space<vmem>>) semaphore(%arg9 : memref<!tpu.dma_semaphore, #tpu.memory_space<semaphore_mem>>)
    %dma_wait3A_399 = arith.constant 224 : i32
    %dma_wait3A_400 = tpu.memref_slice %arg5[%dma_wait3A_399] : memref<256xi32, #tpu.memory_space<vmem>> -> memref<16xi32, #tpu.memory_space<vmem>>
    %dma_wait3A_401 = arith.constant 0 : i32
    %dma_wait3A_402 = arith.constant 0 : i32
    %dma_wait3A_403 = tpu.memref_slice %arg3[%dma_wait3A_401, %dma_wait3A_402] : memref<50257x2048xf32, #tpu.memory_space<hbm>> -> memref<50257x2048xf32, #tpu.memory_space<hbm>>
    tpu.wait_indirect_dma semaphore(%arg11 : memref<!tpu.dma_semaphore, #tpu.memory_space<semaphore_mem>>) src(%dma_wait3A_403 : memref<50257x2048xf32, #tpu.memory_space<hbm>>) dst(%arg8 : memref<16x2048xf32, #tpu.memory_space<vmem>>)
    %add3A_404 = arith.constant 128 : i32
    %add3A_405 = arith.addi %add3A_404, %mul3A_32 : i32
    %add3A_406 = arith.constant 224 : i32
    %add3A_407 = arith.addi %add3A_405, %add3A_406 : i32
    %dma_start3A_408 = arith.constant 0 : i32
    %dma_start3A_409 = tpu.memref_slice %arg4[%select_n3A, %add3A_407, %dma_start3A_408] : memref<4x2176x2048xf32, #tpu.memory_space<hbm>> -> memref<1x16x2048xf32, #tpu.memory_space<hbm>>
    %dma_start3A_410 = tpu.memref_squeeze %dma_start3A_409 : memref<1x16x2048xf32, #tpu.memory_space<hbm>> -> memref<16x2048xf32, #tpu.memory_space<hbm>>
    %dma_start3A_411 = arith.constant 0 : i32
    %dma_start3A_412 = tpu.memref_slice %arg4[%select_n3A, %add3A_407, %dma_start3A_411] : memref<4x2176x2048xf32, #tpu.memory_space<hbm>> -> memref<1x16x2048xf32, #tpu.memory_space<hbm>>
    %dma_start3A_413 = tpu.memref_squeeze %dma_start3A_412 : memref<1x16x2048xf32, #tpu.memory_space<hbm>> -> memref<16x2048xf32, #tpu.memory_space<hbm>>
    tpu.enqueue_dma source(%arg8 : memref<16x2048xf32, #tpu.memory_space<vmem>>) target(%dma_start3A_413 : memref<16x2048xf32, #tpu.memory_space<hbm>>) target_semaphore(%arg14 : memref<!tpu.dma_semaphore, #tpu.memory_space<semaphore_mem>>)
    %dma_wait3A_414 = arith.constant 240 : i32
    %dma_wait3A_415 = tpu.memref_slice %arg5[%dma_wait3A_414] : memref<256xi32, #tpu.memory_space<vmem>> -> memref<16xi32, #tpu.memory_space<vmem>>
    %dma_wait3A_416 = arith.constant 0 : i32
    %dma_wait3A_417 = arith.constant 0 : i32
    %dma_wait3A_418 = tpu.memref_slice %arg3[%dma_wait3A_416, %dma_wait3A_417] : memref<50257x2048xf32, #tpu.memory_space<hbm>> -> memref<50257x2048xf32, #tpu.memory_space<hbm>>
    tpu.wait_indirect_dma semaphore(%arg9 : memref<!tpu.dma_semaphore, #tpu.memory_space<semaphore_mem>>) src(%dma_wait3A_418 : memref<50257x2048xf32, #tpu.memory_space<hbm>>) dst(%arg6 : memref<16x2048xf32, #tpu.memory_space<vmem>>)
    %add3A_419 = arith.constant 128 : i32
    %add3A_420 = arith.addi %add3A_419, %mul3A_32 : i32
    %add3A_421 = arith.constant 240 : i32
    %add3A_422 = arith.addi %add3A_420, %add3A_421 : i32
    %dma_start3A_423 = arith.constant 0 : i32
    %dma_start3A_424 = tpu.memref_slice %arg4[%select_n3A, %add3A_422, %dma_start3A_423] : memref<4x2176x2048xf32, #tpu.memory_space<hbm>> -> memref<1x16x2048xf32, #tpu.memory_space<hbm>>
    %dma_start3A_425 = tpu.memref_squeeze %dma_start3A_424 : memref<1x16x2048xf32, #tpu.memory_space<hbm>> -> memref<16x2048xf32, #tpu.memory_space<hbm>>
    %dma_start3A_426 = arith.constant 0 : i32
    %dma_start3A_427 = tpu.memref_slice %arg4[%select_n3A, %add3A_422, %dma_start3A_426] : memref<4x2176x2048xf32, #tpu.memory_space<hbm>> -> memref<1x16x2048xf32, #tpu.memory_space<hbm>>
    %dma_start3A_428 = tpu.memref_squeeze %dma_start3A_427 : memref<1x16x2048xf32, #tpu.memory_space<hbm>> -> memref<16x2048xf32, #tpu.memory_space<hbm>>
    tpu.enqueue_dma source(%arg6 : memref<16x2048xf32, #tpu.memory_space<vmem>>) target(%dma_start3A_428 : memref<16x2048xf32, #tpu.memory_space<hbm>>) target_semaphore(%arg12 : memref<!tpu.dma_semaphore, #tpu.memory_space<semaphore_mem>>)
    %dma_wait3A_429 = arith.constant 0 : i32
    %dma_wait3A_430 = tpu.memref_slice %arg4[%select_n3A, %add3A_422, %dma_wait3A_429] : memref<4x2176x2048xf32, #tpu.memory_space<hbm>> -> memref<1x16x2048xf32, #tpu.memory_space<hbm>>
    %dma_wait3A_431 = tpu.memref_squeeze %dma_wait3A_430 : memref<1x16x2048xf32, #tpu.memory_space<hbm>> -> memref<16x2048xf32, #tpu.memory_space<hbm>>
    %dma_wait3A_432 = arith.constant 0 : i32
    %dma_wait3A_433 = tpu.memref_slice %arg4[%select_n3A, %add3A_422, %dma_wait3A_432] : memref<4x2176x2048xf32, #tpu.memory_space<hbm>> -> memref<1x16x2048xf32, #tpu.memory_space<hbm>>
    %dma_wait3A_434 = tpu.memref_squeeze %dma_wait3A_433 : memref<1x16x2048xf32, #tpu.memory_space<hbm>> -> memref<16x2048xf32, #tpu.memory_space<hbm>>
    tpu.wait_dma2 semaphore(%arg12 : memref<!tpu.dma_semaphore, #tpu.memory_space<semaphore_mem>>) src(%arg6 : memref<16x2048xf32, #tpu.memory_space<vmem>>) dst(%dma_wait3A_434 : memref<16x2048xf32, #tpu.memory_space<hbm>>)
    %dma_wait3A_435 = arith.constant 0 : i32
    %dma_wait3A_436 = tpu.memref_slice %arg4[%select_n3A, %add3A_381, %dma_wait3A_435] : memref<4x2176x2048xf32, #tpu.memory_space<hbm>> -> memref<1x16x2048xf32, #tpu.memory_space<hbm>>
    %dma_wait3A_437 = tpu.memref_squeeze %dma_wait3A_436 : memref<1x16x2048xf32, #tpu.memory_space<hbm>> -> memref<16x2048xf32, #tpu.memory_space<hbm>>
    %dma_wait3A_438 = arith.constant 0 : i32
    %dma_wait3A_439 = tpu.memref_slice %arg4[%select_n3A, %add3A_381, %dma_wait3A_438] : memref<4x2176x2048xf32, #tpu.memory_space<hbm>> -> memref<1x16x2048xf32, #tpu.memory_space<hbm>>
    %dma_wait3A_440 = tpu.memref_squeeze %dma_wait3A_439 : memref<1x16x2048xf32, #tpu.memory_space<hbm>> -> memref<16x2048xf32, #tpu.memory_space<hbm>>
    tpu.wait_dma2 semaphore(%arg13 : memref<!tpu.dma_semaphore, #tpu.memory_space<semaphore_mem>>) src(%arg7 : memref<16x2048xf32, #tpu.memory_space<vmem>>) dst(%dma_wait3A_440 : memref<16x2048xf32, #tpu.memory_space<hbm>>)
    %dma_wait3A_441 = arith.constant 0 : i32
    %dma_wait3A_442 = tpu.memref_slice %arg4[%select_n3A, %add3A_407, %dma_wait3A_441] : memref<4x2176x2048xf32, #tpu.memory_space<hbm>> -> memref<1x16x2048xf32, #tpu.memory_space<hbm>>
    %dma_wait3A_443 = tpu.memref_squeeze %dma_wait3A_442 : memref<1x16x2048xf32, #tpu.memory_space<hbm>> -> memref<16x2048xf32, #tpu.memory_space<hbm>>
    %dma_wait3A_444 = arith.constant 0 : i32
    %dma_wait3A_445 = tpu.memref_slice %arg4[%select_n3A, %add3A_407, %dma_wait3A_444] : memref<4x2176x2048xf32, #tpu.memory_space<hbm>> -> memref<1x16x2048xf32, #tpu.memory_space<hbm>>
    %dma_wait3A_446 = tpu.memref_squeeze %dma_wait3A_445 : memref<1x16x2048xf32, #tpu.memory_space<hbm>> -> memref<16x2048xf32, #tpu.memory_space<hbm>>
    tpu.wait_dma2 semaphore(%arg14 : memref<!tpu.dma_semaphore, #tpu.memory_space<semaphore_mem>>) src(%arg8 : memref<16x2048xf32, #tpu.memory_space<vmem>>) dst(%dma_wait3A_446 : memref<16x2048xf32, #tpu.memory_space<hbm>>)
    return
  }
}

module attributes {stable_mosaic.version = 14 : i64} {
  func.func @_broadcast_body(%arg0: i32, %arg1: memref<128x1024xf32, #tpu.memory_space<vmem>>, %arg2: memref<4x2176x2048xf32, #tpu.memory_space<any>>, %arg3: memref<4x128x1024xf32, #tpu.memory_space<vmem>>) attributes {dimension_semantics = [#tpu.dimension_semantics<arbitrary>], iteration_bounds = array<i64: 2>, scalar_prefetch = 0 : i64, scratch_operands = 0 : i64, tpu.core_type = #tpu.core_type<tc>, window_params = [{transform_indices = @transform_0, window_bounds = array<i64: 128, 1024>}, {}, {transform_indices = @transform_2, window_bounds = array<i64: 4, 128, 1024>}]} {
    %get3A = arith.constant 0 : index
    %get3A_0 = arith.constant 0 : index
    %get3A_1 = vector.load %arg1[%get3A, %get3A_0] : memref<128x1024xf32, #tpu.memory_space<vmem>>, vector<128x1024xf32>
    %broadcast_in_dim3A = vector.shape_cast %get3A_1 : vector<128x1024xf32> to vector<1x128x1024xf32>
    %broadcast_in_dim3A_2 = vector.shape_cast %broadcast_in_dim3A : vector<1x128x1024xf32> to vector<1x128x1024xf32>
    %broadcast_in_dim3A_3 = vector.broadcast %broadcast_in_dim3A_2 : vector<1x128x1024xf32> to vector<4x128x1024xf32>
    %swap3A = arith.constant 0 : index
    %swap3A_4 = arith.constant 0 : index
    %swap3A_5 = arith.constant 0 : index
    %swap3A_6 = vector.load %arg3[%swap3A, %swap3A_4, %swap3A_5] : memref<4x128x1024xf32, #tpu.memory_space<vmem>>, vector<4x128x1024xf32>
    tpu.vector_store %arg3[%swap3A, %swap3A_4, %swap3A_5], %broadcast_in_dim3A_3 {strides = array<i32>} : memref<4x128x1024xf32, #tpu.memory_space<vmem>>, vector<4x128x1024xf32>,
    return
  }
  func.func @transform_0(%arg0: i32) -> (i32, i32) {
    %c0_i32 = arith.constant 0 : i32
    %c0_i32_0 = arith.constant 0 : i32
    return %c0_i32, %arg0 : i32, i32
  }
  func.func @transform_2(%arg0: i32) -> (i32, i32, i32) {
    %c0_i32 = arith.constant 0 : i32
    %c0_i32_0 = arith.constant 0 : i32
    %c0_i32_1 = arith.constant 0 : i32
    return %c0_i32, %c0_i32_0, %arg0 : i32, i32, i32
  }
}

module attributes {stable_mosaic.version = 14 : i64} {
  func.func @_linear_body(%arg0: i32, %arg1: memref<128x2048xf32, #tpu.memory_space<vmem>>, %arg2: memref<2048x1024xf32, #tpu.memory_space<vmem>>, %arg3: memref<1x1024xf32, #tpu.memory_space<vmem>>, %arg4: memref<128x1024xf32, #tpu.memory_space<vmem>>) attributes {dimension_semantics = [#tpu.dimension_semantics<arbitrary>], iteration_bounds = array<i64: 2>, scalar_prefetch = 0 : i64, scratch_operands = 0 : i64, tpu.core_type = #tpu.core_type<tc>, window_params = [{pipeline_mode = #tpu.pipeline_mode<synchronous>, transform_indices = @transform_0, window_bounds = array<i64: 128, 2048>}, {transform_indices = @transform_1, window_bounds = array<i64: 2048, 1024>}, {transform_indices = @transform_2, window_bounds = array<i64: 1, 1024>}, {transform_indices = @transform_3, window_bounds = array<i64: 128, 1024>}]} {
    %get3A = arith.constant 0 : index
    %get3A_0 = arith.constant 0 : index
    %get3A_1 = vector.load %arg1[%get3A, %get3A_0] : memref<128x2048xf32, #tpu.memory_space<vmem>>, vector<128x2048xf32>
    %get3A_2 = arith.constant 0 : index
    %get3A_3 = arith.constant 0 : index
    %get3A_4 = vector.load %arg2[%get3A_2, %get3A_3] : memref<2048x1024xf32, #tpu.memory_space<vmem>>, vector<2048x1024xf32>
    %dot_general3A = arith.constant dense<0.000000e+00> : vector<128x1024xf32>
    %dot_general3A_5 = tpu.matmul %get3A_1, %get3A_4, %dot_general3A {dimension_numbers = #tpu.dot_dimension_numbers<[1], [0], [0], [1], [0, 0, 1, 1], [], []>, transpose_lhs_hint = false} : vector<128x2048xf32>, vector<2048x1024xf32>, vector<128x1024xf32> -> vector<128x1024xf32>
    %get3A_6 = arith.constant 0 : index
    %get3A_7 = arith.constant 0 : index
    %get3A_8 = vector.load %arg3[%get3A_6, %get3A_7] : memref<1x1024xf32, #tpu.memory_space<vmem>>, vector<1x1024xf32>
    %add3A = vector.broadcast %get3A_8 : vector<1x1024xf32> to vector<128x1024xf32>
    %add3A_9 = arith.addf %dot_general3A_5, %add3A : vector<128x1024xf32>
    %swap3A = arith.constant 0 : index
    %swap3A_10 = arith.constant 0 : index
    %swap3A_11 = vector.load %arg4[%swap3A, %swap3A_10] : memref<128x1024xf32, #tpu.memory_space<vmem>>, vector<128x1024xf32>
    tpu.vector_store %arg4[%swap3A, %swap3A_10], %add3A_9 {strides = array<i32>} : memref<128x1024xf32, #tpu.memory_space<vmem>>, vector<128x1024xf32>,
    return
  }
  func.func @transform_0(%arg0: i32) -> (i32, i32) {
    %c0_i32 = arith.constant 0 : i32
    %c0_i32_0 = arith.constant 0 : i32
    %c0_i32_1 = arith.constant 0 : i32
    return %c0_i32, %c0_i32_0 : i32, i32
  }
  func.func @transform_1(%arg0: i32) -> (i32, i32) {
    %c0_i32 = arith.constant 0 : i32
    %c0_i32_0 = arith.constant 0 : i32
    return %c0_i32, %arg0 : i32, i32
  }
  func.func @transform_2(%arg0: i32) -> (i32, i32) {
    %c0_i32 = arith.constant 0 : i32
    %c0_i32_0 = arith.constant 0 : i32
    return %c0_i32, %arg0 : i32, i32
  }
  func.func @transform_3(%arg0: i32) -> (i32, i32) {
    %c0_i32 = arith.constant 0 : i32
    %c0_i32_0 = arith.constant 0 : i32
    return %c0_i32, %arg0 : i32, i32
  }
}

module attributes {stable_mosaic.version = 14 : i64} {
  func.func @_linear_body(%arg0: i32, %arg1: memref<128x2048xf32, #tpu.memory_space<vmem>>, %arg2: memref<2048x1024xf32, #tpu.memory_space<vmem>>, %arg3: memref<1x1024xf32, #tpu.memory_space<vmem>>, %arg4: memref<128x1024xf32, #tpu.memory_space<vmem>>) attributes {dimension_semantics = [#tpu.dimension_semantics<arbitrary>], iteration_bounds = array<i64: 2>, scalar_prefetch = 0 : i64, scratch_operands = 0 : i64, tpu.core_type = #tpu.core_type<tc>, window_params = [{pipeline_mode = #tpu.pipeline_mode<synchronous>, transform_indices = @transform_0, window_bounds = array<i64: 128, 2048>}, {transform_indices = @transform_1, window_bounds = array<i64: 2048, 1024>}, {transform_indices = @transform_2, window_bounds = array<i64: 1, 1024>}, {transform_indices = @transform_3, window_bounds = array<i64: 128, 1024>}]} {
    %get3A = arith.constant 0 : index
    %get3A_0 = arith.constant 0 : index
    %get3A_1 = vector.load %arg1[%get3A, %get3A_0] : memref<128x2048xf32, #tpu.memory_space<vmem>>, vector<128x2048xf32>
    %get3A_2 = arith.constant 0 : index
    %get3A_3 = arith.constant 0 : index
    %get3A_4 = vector.load %arg2[%get3A_2, %get3A_3] : memref<2048x1024xf32, #tpu.memory_space<vmem>>, vector<2048x1024xf32>
    %dot_general3A = arith.constant dense<0.000000e+00> : vector<128x1024xf32>
    %dot_general3A_5 = tpu.matmul %get3A_1, %get3A_4, %dot_general3A {dimension_numbers = #tpu.dot_dimension_numbers<[1], [0], [0], [1], [0, 0, 1, 1], [], []>, transpose_lhs_hint = false} : vector<128x2048xf32>, vector<2048x1024xf32>, vector<128x1024xf32> -> vector<128x1024xf32>
    %get3A_6 = arith.constant 0 : index
    %get3A_7 = arith.constant 0 : index
    %get3A_8 = vector.load %arg3[%get3A_6, %get3A_7] : memref<1x1024xf32, #tpu.memory_space<vmem>>, vector<1x1024xf32>
    %add3A = vector.broadcast %get3A_8 : vector<1x1024xf32> to vector<128x1024xf32>
    %add3A_9 = arith.addf %dot_general3A_5, %add3A : vector<128x1024xf32>
    %max3A = arith.constant 0.000000e+00 : f32
    %max3A_10 = vector.broadcast %max3A : f32 to vector<128x1024xf32>
    %max3A_11 = arith.maximumf %add3A_9, %max3A_10 : vector<128x1024xf32>
    %swap3A = arith.constant 0 : index
    %swap3A_12 = arith.constant 0 : index
    %swap3A_13 = vector.load %arg4[%swap3A, %swap3A_12] : memref<128x1024xf32, #tpu.memory_space<vmem>>, vector<128x1024xf32>
    tpu.vector_store %arg4[%swap3A, %swap3A_12], %max3A_11 {strides = array<i32>} : memref<128x1024xf32, #tpu.memory_space<vmem>>, vector<128x1024xf32>,
    return
  }
  func.func @transform_0(%arg0: i32) -> (i32, i32) {
    %c0_i32 = arith.constant 0 : i32
    %c0_i32_0 = arith.constant 0 : i32
    %c0_i32_1 = arith.constant 0 : i32
    return %c0_i32, %c0_i32_0 : i32, i32
  }
  func.func @transform_1(%arg0: i32) -> (i32, i32) {
    %c0_i32 = arith.constant 0 : i32
    %c0_i32_0 = arith.constant 0 : i32
    return %c0_i32, %arg0 : i32, i32
  }
  func.func @transform_2(%arg0: i32) -> (i32, i32) {
    %c0_i32 = arith.constant 0 : i32
    %c0_i32_0 = arith.constant 0 : i32
    return %c0_i32, %arg0 : i32, i32
  }
  func.func @transform_3(%arg0: i32) -> (i32, i32) {
    %c0_i32 = arith.constant 0 : i32
    %c0_i32_0 = arith.constant 0 : i32
    return %c0_i32, %arg0 : i32, i32
  }
}

</mosaic_0001>

<sc_bundles>
// kernel: kernel.7.cloned.1.call-start
scs
__scs_entry_jumppad:
0x0: {  	(pc) =	sbr.rel $0x88, $3  }
0x1: {  	(tag) =	ssettag $0x0;
	lr =	simm.s32 $0x1  }
0x2: {  	[smem:$0x3F98] =	sst lr;
	_ =	strace $0xD0000000  }
0x3: {  	_ = 	snop  }
0x4: {  	_ = 	snop  }
0x5: {  	_ = 	snop  }
0x6: {  	_ = 	snop  }
0x7: {  	_ = 	snop  }
__scs_overlays_trampoline_lowered:
0x8: {  	[smem:$0x3FA7] =	sst s0  }
0x9: {  	[smem:$0x3FA8] =	sst s1  }
0xa: {  	[smem:$0x3FA9] =	sst s2  }
0xb: {  	[smem:$0x3FAA] =	sst s3  }
0xc: {  	[smem:$0x3FAB] =	sst s4  }
0xd: {  	[smem:$0x3FAC] =	sst s5  }
0xe: {  	[smem:$0x3FAD] =	sst s6  }
0xf: {  	[smem:$0x3FAE] =	sst s7  }
0x10: {  	[smem:$0x3FAF] =	sst s8  }
0x11: {  	[smem:$0x3FB0] =	sst s9;
	s0 =	simm.s32 @!p0 $0x0  }
0x12: {  	s1 =	sld [smem:$0x3F96];
	s0 =	simm.s32 @p0 $0x1  }
0x13: {  	[smem:$0x3FB1] =	sst s0;
	s0 =	simm.s32 @!p1 $0x0  }
0x14: {  	s2 =	sld [smem:$0x3F95];
	s0 =	simm.s32 @p1 $0x1  }
0x15: {  	[smem:$0x3FB2] =	sst s0;
	s0 =	simm.s32 @!p2 $0x0  }
0x16: {  	s3 =	sld [smem:$0x3FDB];
	s0 =	simm.s32 @p2 $0x1  }
0x17: {  	s4 =	simm.s32 $0x1BF5;
	[smem:$0x3FB4] =	sst s0  }
0x18: {  	s0 =	sld [smem:$0x3F97];
	_ =	swait.ge [sflag:s4], $0x0  }
0x19: {  	s7 =	sld [smem:$0x3F98]  }
0x1a: {  	s8 =	sadd.s32 $0xFFFFE003, lr  }
0x1b: {  	s9 =	sadd.s32 $0xFFFFFEF7, lr;
	s5 =	simm.s32 $0xFFFFFFFF;
	p2 =	slt.u32 s8, $0xFFFFF086  }
0x1c: {  	p1 =	slt.u32 s9, $0xF7A;
	s5 =	simm.s32 @!p2 $0x0  }
0x1d: {  	s5 =	simm.s32 @p1 $0x1;
	p0 =	seq.s32 s7, s2  }
0x1e: {  	s7 =	smul.u32 @!p0 $0xF7A, s2;
	p2 =	seq.s32 @!p0 s5, $0x0  }
0x1f: {  	s9 =	smul.u32 $0xF7A, s1;
	s8 =	simm.s32 @!p0 $0x1BF5;
	p2 =	por !p2, p0  }
0x20: {  	[sflag:s8] =	ssyncset.s32 @!p0 $0xFFFFF086;
	s6 =	sadd.s32 @!p0 s3, s7;
	s7 =	simm.s32 @!p0 $0x108  }
0x21: {  	s3 =	sadd.s32 s3, s9;
	s6 =	sadd.s32 @!p0 $0x88, s6;
	s7 =	simm.s32 @p2 $0x1082  }
0x22: {  	[simem:s7], [sflag:s8] =	dma.local @!p0 [hbm:s6], $0xF7A  }
0x23: {  	s9 =	sor.u32 $0xD0000000, s2;
	s6 =	simm.s32 $0x108;
	_ =	swait.ge @!p0 [sflag:s8], $0x0  }
0x24: {  	s3 =	sadd.s32 $0x88, s3;
	s6 =	simm.s32 @!p1 $0x1082;
	[sflag:s4] =	ssyncset.s32 $0xFFFFF086  }
0x25: {  	[simem:s6], [sflag:s4] =	dma.local [hbm:s3], $0xF7A  }
0x26: {  	[smem:$0x3F98] =	sst s1;
	(tag) =	ssettag s2;
	_ =	strace s9  }
0x27: {  	s1 =	sld [smem:$0x3FA8]  }
0x28: {  	s2 =	sld [smem:$0x3FA9]  }
0x29: {  	s4 =	sld [smem:$0x3FAB]  }
0x2a: {  	p0 =	seq.s32 s5, $0x0;
	s5 =	sld [smem:$0x3FAC]  }
0x2b: {  	s6 =	sld [smem:$0x3FAD]  }
0x2c: {  	s7 =	sld [smem:$0x3FAE]  }
0x2d: {  	s3 =	simm.s32 $0x108;
	s8 =	sld [smem:$0x3FAF]  }
0x2e: {  	s3 =	simm.s32 @!p0 $0x1082;
	s9 =	sld [smem:$0x3FB0]  }
0x2f: {  	lr =	sadd.s32 s0, s3;
	s0 =	sld [smem:$0x3FA7]  }
0x30: {  	s3 =	sld [smem:$0x3FAA]  }
0x31: {  	[smem:$0x3FB3] =	sst s10  }
0x32: {  	s10 =	sld [smem:$0x3FB1];
	_ =	sdelay $0x3  }
0x33: {  	p0 =	seq.s32 s10, $0x1;
	s10 =	sld [smem:$0x3FB3];
	_ =	sdelay $0x3  }
0x34: {  	[smem:$0x3FB3] =	sst s10  }
0x35: {  	s10 =	sld [smem:$0x3FB2];
	_ =	sdelay $0x3  }
0x36: {  	p1 =	seq.s32 s10, $0x1;
	s10 =	sld [smem:$0x3FB3];
	_ =	sdelay $0x3  }
0x37: {  	[smem:$0x3FB3] =	sst s10  }
0x38: {  	s10 =	sld [smem:$0x3FB4]  }
0x39: {  	_ = 	snop;
	(pc) =	sbr.ind lr, $3  }
0x3a: {  	_ = 	snop  }
0x3b: {  	_ = 	snop  }
0x3c: {  	p2 =	seq.s32 s10, $0x1;
	s10 =	sld [smem:$0x3FB3]  }
0x3d: {  	_ =	shalt  }
0x3e: {  	_ =	shalt  }
0x3f: {  	_ =	shalt  }
0x40: {  	_ =	shalt  }
0x41: {  	_ =	shalt  }
0x42: {  	_ =	shalt  }
0x43: {  	_ =	shalt  }
0x44: {  	_ =	shalt  }
0x45: {  	_ =	shalt  }
0x46: {  	_ =	shalt  }
0x47: {  	_ =	shalt  }
0x48: {  	_ =	shalt  }
0x49: {  	_ =	shalt  }
0x4a: {  	_ =	shalt  }
0x4b: {  	_ =	shalt  }
0x4c: {  	_ =	shalt  }
0x4d: {  	_ =	shalt  }
0x4e: {  	_ =	shalt  }
0x4f: {  	_ =	shalt  }
0x50: {  	_ =	shalt  }
0x51: {  	_ =	shalt  }
0x52: {  	_ =	shalt  }
0x53: {  	_ =	shalt  }
0x54: {  	_ =	shalt  }
0x55: {  	_ =	shalt  }
0x56: {  	_ =	shalt  }
0x57: {  	_ =	shalt  }
0x58: {  	_ =	shalt  }
0x59: {  	_ =	shalt  }
0x5a: {  	_ =	shalt  }
0x5b: {  	_ =	shalt  }
0x5c: {  	_ =	shalt  }
0x5d: {  	_ =	shalt  }
0x5e: {  	_ =	shalt  }
0x5f: {  	_ =	shalt  }
0x60: {  	_ =	shalt  }
0x61: {  	_ =	shalt  }
0x62: {  	_ =	shalt  }
0x63: {  	_ =	shalt  }
0x64: {  	_ =	shalt  }
0x65: {  	_ =	shalt  }
0x66: {  	_ =	shalt  }
0x67: {  	_ =	shalt  }
0x68: {  	_ =	shalt  }
0x69: {  	_ =	shalt  }
0x6a: {  	_ =	shalt  }
0x6b: {  	_ =	shalt  }
0x6c: {  	_ =	shalt  }
0x6d: {  	_ =	shalt  }
0x6e: {  	_ =	shalt  }
0x6f: {  	_ =	shalt  }
0x70: {  	_ =	shalt  }
0x71: {  	_ =	shalt  }
0x72: {  	_ =	shalt  }
0x73: {  	_ =	shalt  }
0x74: {  	_ =	shalt  }
0x75: {  	_ =	shalt  }
0x76: {  	_ =	shalt  }
0x77: {  	_ =	shalt  }
0x78: {  	_ =	shalt  }
0x79: {  	_ =	shalt  }
0x7a: {  	_ =	shalt  }
0x7b: {  	_ =	shalt  }
0x7c: {  	_ =	shalt  }
0x7d: {  	_ =	shalt  }
0x7e: {  	_ =	shalt  }
0x7f: {  	_ =	shalt  }
0x80: {  	_ =	shalt  }
0x81: {  	_ =	shalt  }
0x82: {  	_ =	shalt  }
0x83: {  	_ =	shalt  }
0x84: {  	_ =	shalt  }
0x85: {  	_ =	shalt  }
0x86: {  	_ =	shalt  }
0x87: {  	_ =	shalt  }
.Lfunc_end0:
.L_simem_size_0:
called_computation_lowered:
.L_overlay_start_0:
0x88: {  	s2 =	sld [smem:$0x3FD9]  }
0x89: {  	s3 =	sld [smem:$0x3FFE];
	_ =	sdelay $0x1  }
0x8a: {  	s1 =	srdreg.scid  }
0x8b: {  	s0 =	sand.u32 $0x1, s1  }
0x8c: {  	s18 =	sshll.u32 s0, $0xA;
	s2 =	sadd.s32 s3, s2  }
0x8d: {  	s2 =	sadd.s32 s2, s18  }
0x8e: {  	[smem:$0x3FBF] =	sst s2  }
0x8f: {  	_ = 	snop  }
0x90: {  	s2 =	sld [smem:$0x3FC9]  }
0x91: {  	s19 =	sld [smem:$0x3FC1]  }
0x92: {  	s4 =	sld [smem:$0x3FD0];
	(tm) =	ssettm $0x1  }
0x93: {  	s5 =	sld [smem:$0x3FFB];
	_ =	sdelay $0x3  }
0x94: {  	_ =	strace s5  }
0x95: {  	s5 =	sld [smem:$0x3FFC];
	_ =	sdelay $0x3  }
0x96: {  	_ =	strace s5  }
0x97: {  	s5 =	sld [smem:$0x3FFD];
	_ =	sdelay $0x3  }
0x98: {  	_ =	strace s5  }
0x99: {  	_ =	strace $0x8FFFFFFF  }
0x9a: {  	s20 =	sld [smem:$0x3FDB];
	_ =	sdelay $0x1  }
0x9b: {  	s6 =	simm.s32 $_scs_section_size  }
0x9c: {  	s7 =	simm.s32 $_size__tile_overlayer_lowered;
	s8 =	simm.s32 $_tile_overlayer_lowered  }
0x9d: {  	s23 =	simm.s32 $0x1BFF;
	s22 =	sshll.u32 s8, $0x1;
	s5 =	sadd.s32 s6, s20  }
0x9e: {  	s9 =	simm.s32 $0x0;
	s21 =	sshll.u32 s7, $0x1;
	s7 =	sadd.s32 s22, s5  }
0x9f: {  	[timem:s9], [sflag:s23] =	dma.local [hbm:s7], s21  }
0xa0: {  	_ =	swait.ge [sflag:s23], s21  }
0xa1: {  	s6 =	ssub.s32 $0x0, s21;
	[sflag:s23] =	ssyncset.done $0x0  }
0xa2: {  	[sflag:s23] =	ssyncadd.s32 s6;
	_ =	sdelay $0x1  }
0xa3: {  	s24 =	simm.s32 $0x1B8B  }
0xa4: {  	_ =	swait.ge [sflag:s24], $0x1  }
0xa5: {  	[sflag:s24] =	ssyncset.done $0x0  }
0xa6: {  	s25 =	simm.s32 $0x1B8E;
	[sflag:s24] =	ssyncadd.s32 $0xFFFFFFFF  }
0xa7: {  	s26 =	simm.s32 $execute0_lowered;
	[smem:$0x3FD2] =	sst s25  }
0xa8: {  	s6 =	sshll.u32 s26, $0x1;
	_ =	strace $0x80000046;
	[dreg:$0x1] =	wrdreg $0xFFFFFFFF  }
0xa9: {  	s28 =	simm.s32 $_size_execute0_lowered;
	s5 =	sadd.s32 s5, s6;
	[dreg:$0x0] =	wrdreg $0x0  }
0xaa: {  	s6 =	sshll.u32 s28, $0x1;
	[dreg:$0x2] =	wrdreg s5  }
0xab: {  	[dreg:$0x3] =	wrdreg s6  }
0xac: {  	[dreg:$0x4] =	wrdreg $0xC0  }
0xad: {  	_ =	task [dreg:s9], $0x5FFFF  }
0xae: {  	[dreg:$0x1] =	wrdreg $0xFFFFFFFF  }
0xaf: {  	[dreg:$0x0] =	wrdreg $0x60  }
0xb0: {  	[dreg:$0x2] =	wrdreg s2  }
0xb1: {  	[dreg:$0x3] =	wrdreg s19  }
0xb2: {  	[dreg:$0x4] =	wrdreg s4  }
0xb3: {  	[dreg:$0x5] =	wrdreg $0x9  }
0xb4: {  	_ =	task.clear_ibuf [dreg:s9], $0x6FFFF;
	_ =	strace $0x90000046  }
0xb5: {  	s29 =	simm.s32 $0x9;
	_ =	strace $0x80000048  }
0xb6: {  	_ =	swait.ge [sflag:s29], $0x1  }
0xb7: {  	[sflag:s29] =	ssyncadd.s32 $0xFFFFFFFF  }
0xb8: {  	_ =	strace $0x90000048  }
0xb9: {  	_ =	sfence  }
0xba: {  	s30 =	sld [smem:$0x0];
	_ =	sdelay $0x2  }
0xbb: {  	s31 =	sshll.u32 s1, $0xD;
	s1 =	sshrl.u32 s1, $0x2  }
0xbc: {  	s3 =	sand.u32 $0x4000, s31;
	s1 =	sadd.s32 s1, s30  }
0xbd: {  	s0 =	sor.u32 s3, s0;
	s1 =	sshll.u32 s1, $0x11  }
0xbe: {  	s0 =	sor.u32 s1, s0  }
0xbf: {  	s0 =	sadd.s32 $0x8F2B, s0  }
0xc0: {  	[sflag:s0] =	ssyncadd.remote.s32 $0x1  }
0xc1: {  	_ =	sfence.sel $0xFFFF  }
0xc2: {  	[dreg:$0x0] =	wrdreg $0xFFFFFFFF;
	(pc) =	sbr.abs _section_cstart, $3  }
0xc3: {  	[dreg:$0x1] =	wrdreg $0xFFFFFFFF  }
0xc4: {  	_ =	task.clear_ibuf [dreg:s9], $0x2FFFF;
	_ =	strace $0x9FFFFFFF  }
0xc5: {  	(tm) =	ssettm $0x7FFFFFFF  }
tec
execute0_lowered:
.L_overlay_start_1:
0x0: {  	(tag) =	ssettag $0x1  }
0x1: {  	s0 =	rddreg [dreg:$0x0]  }
0x2: {  	s4 =	stileid.u32;
	s1 =	rddreg [dreg:$0x1]  }
0x3: {  	s2 =	srdreg.scid;
	s5 =	rddreg [dreg:$0x2]  }
0x4: {  	s29 =	simm.s32 $0x80;
	s30 =	simm.s32 $0x200;
	s3 =	sshll.u32 s4, $0x1  }
0x5: {  	s2 =	sand.u32 $0x1, s2;
	s4 =	sshrl.u32 s4, $0x2;
	s3 =	sand.u32 $0x6, s3  }
0x6: {  	s7 =	smul.u32 $0x440000, s4;
	s4 =	sshll.u32 s4, $0x4;
	s6 =	sor.u32 s2, s3  }
0x7: {  	s3 =	simm.s32 $0x0;
	s0 =	sadd.s32 s0, s4;
	s8 =	sshll.u32 s6, $0x13  }
0x8: {  	[smem:$0x7FF] =	sst s3;
	s6 =	sshll.u32 s6, $0x7;
	s7 =	sadd.s32 s7, s8  }
0x9: {  	_ =	strace $0x80000047;
	[dreg:$0x15] =	wrdreg s29;
	s10 =	sshrl.u32 s7, $0x3  }
0xa: {  	s0 =	sadd.s32 s6, s0;
	[dreg:$0x16] =	wrdreg s30;
	s9 =	sadd.s32 s5, s10  }
0xb: {  	[dreg:$0x4] =	wrdreg s0;
	s11 =	sadd.s32 $0x8000, s9  }
0xc: {  	s12 =	sadd.s32 $0x9000, s9;
	[dreg:$0x5] =	wrdreg s11  }
0xd: {  	s13 =	sadd.s32 $0xA000, s9;
	[dreg:$0x6] =	wrdreg s12  }
0xe: {  	s14 =	sadd.s32 $0xB000, s9;
	[dreg:$0x7] =	wrdreg s13  }
0xf: {  	s15 =	sadd.s32 $0xC000, s9;
	[dreg:$0x8] =	wrdreg s14  }
0x10: {  	s16 =	sadd.s32 $0xD000, s9;
	[dreg:$0x9] =	wrdreg s15  }
0x11: {  	s17 =	sadd.s32 $0xE000, s9;
	[dreg:$0xa] =	wrdreg s16  }
0x12: {  	s31 =	simm.s32 $0x2;
	s18 =	sadd.s32 $0xF000, s9;
	[dreg:$0xb] =	wrdreg s17  }
0x13: {  	s2 =	ssub.s32 $0x2, s2;
	s19 =	sadd.s32 $0x10000, s9;
	[dreg:$0xc] =	wrdreg s18  }
0x14: {  	s4 =	sadd.s32 $0x100, s1;
	s21 =	sadd.s32 $0x11000, s9;
	[dreg:$0xd] =	wrdreg s19  }
0x15: {  	s20 =	sshrl.u32 s2, $0x1;
	s22 =	sadd.s32 $0x12000, s9;
	[dreg:$0xe] =	wrdreg s21  }
0x16: {  	s2 =	ssub.s32 s2, s20;
	s23 =	sadd.s32 $0x13000, s9;
	[dreg:$0xf] =	wrdreg s22  }
0x17: {  	s6 =	sadd.s32 $0x300, s1;
	s24 =	sadd.s32 $0x14000, s9;
	[dreg:$0x10] =	wrdreg s23  }
0x18: {  	s8 =	sadd.s32 $0x500, s1;
	s25 =	sadd.s32 $0x15000, s9;
	[dreg:$0x11] =	wrdreg s24  }
0x19: {  	s7 =	sadd.s32 $0x400, s1;
	s26 =	sadd.s32 $0x16000, s9;
	[dreg:$0x12] =	wrdreg s25  }
0x1a: {  	s5 =	sadd.s32 $0x200, s1;
	s28 =	sadd.s32 $0x17000, s9;
	[dreg:$0x13] =	wrdreg s26  }
0x1b: {  	v2 =	vlaneseq.u32;
	s10 =	sadd.s32 $0x700, s1;
	s9 =	sadd.s32 $0x600, s1;
	[dreg:$0x14] =	wrdreg s28  }
0x1c: {  	vm0 =	vmmov $0xffff;
	v1 =	vshrl.u32 v2, $0x3;
	s11 =	smax.u32 s2, $0x1;
	s12 =	simm.s32 $0x1;
	s2 =	simm.s32 $0x4  }
0x1d: {  	v0 =	vand.u32 $0x7, v2;
	v2 =	vor.u32 $0x8, v2;
	v1 =	vmul.u32 $0x8, v1;
	s14 =	simm.s32 $0x3;
	s15 =	simm.s32 $0x5;
	s16 =	simm.s32 $0x6  }
.LBB2_1:
0x1e: {  	[dreg:$0x17] =	wrdreg s11  }
0x1f: {  	s17 =	rddreg [dreg:$0x4]  }
0x20: {  	s18 =	rddreg [dreg:$0x15]  }
0x21: {  	s19 =	rddreg [dreg:$0x16];
	s30 =	simm.s32 $0x7  }
0x22: {  	[tilespmem:s3], [sflag:$0x7] =	stream.strided.gather [hbm4b:s17+s18], $0x100, s19, s18, $0x38;
	[tilespmem:$0x18100] =	vst v63  }
0x23: {  	_ =	swait.ge [sflag:s30], $0x100  }
0x24: {  	[sflag:s30] =	ssyncset.done $0x0  }
0x25: {  	[sflag:s30] =	ssyncadd.s32 $0xFFFFFF00  }
0x26: {  	v3 =	vld [tilespmem:$0x0];
	_ =	sdelay $0x4  }
0x27: {  	v4 =	vshll.u32 v3, $0x4  }
0x28: {  	v3 =	vand.u32 $0x7, v3;
	v4 =	vand.u32 $0xFFFFFF80, v4  }
0x29: {  	v3 =	vor.u32 v3, v4  }
0x2a: {  	v4 =	vperm.xlane v3, v0;
	_ =	sdelay $0x1  }
0x2b: {  	v4 =	vadd.s32 v1, v4;
	_ =	sdelay $0x3  }
0x2c: {  	s18 =	simm.s32 $0x100  }
0x2d: {  	[tilespmem:s18], [sflag:$0x1] =	stream.indirect_vreg.gather [hbm4b:s1+s3], $0x80, v4, vm0, $0xb8;
	[tilespmem:$0x18100] =	vst v63  }
0x2e: {  	s0 =	simm.s32 $0x900  }
0x2f: {  	[tilespmem:s0], [sflag:$0x1] =	stream.indirect_vreg.gather [hbm4b:s4+s3], $0x80, v4, vm0, $0xb8;
	[tilespmem:$0x18100] =	vst v63  }
0x30: {  	s11 =	simm.s32 $0x1100  }
0x31: {  	[tilespmem:s11], [sflag:$0x1] =	stream.indirect_vreg.gather [hbm4b:s5+s3], $0x80, v4, vm0, $0xb8;
	[tilespmem:$0x18100] =	vst v63  }
0x32: {  	s13 =	simm.s32 $0x1900  }
0x33: {  	[tilespmem:s13], [sflag:$0x1] =	stream.indirect_vreg.gather [hbm4b:s6+s3], $0x80, v4, vm0, $0xb8;
	[tilespmem:$0x18100] =	vst v63  }
0x34: {  	s19 =	simm.s32 $0x2100  }
0x35: {  	[tilespmem:s19], [sflag:$0x1] =	stream.indirect_vreg.gather [hbm4b:s7+s3], $0x80, v4, vm0, $0xb8;
	[tilespmem:$0x18100] =	vst v63  }
0x36: {  	s20 =	simm.s32 $0x2900;
	v3 =	vperm.xlane v3, v2  }
0x37: {  	[tilespmem:s20], [sflag:$0x1] =	stream.indirect_vreg.gather [hbm4b:s8+s3], $0x80, v4, vm0, $0xb8;
	[tilespmem:$0x18100] =	vst v63  }
0x38: {  	s22 =	simm.s32 $0x3100;
	v3 =	vadd.s32 v1, v3  }
0x39: {  	[tilespmem:s22], [sflag:$0x1] =	stream.indirect_vreg.gather [hbm4b:s9+s3], $0x80, v4, vm0, $0xb8;
	[tilespmem:$0x18100] =	vst v63  }
0x3a: {  	s23 =	simm.s32 $0x3900  }
0x3b: {  	[tilespmem:s23], [sflag:$0x1] =	stream.indirect_vreg.gather [hbm4b:s10+s3], $0x80, v4, vm0, $0xb8;
	[tilespmem:$0x18100] =	vst v63  }
0x3c: {  	s24 =	simm.s32 $0x4100  }
0x3d: {  	[tilespmem:s24], [sflag:$0x1] =	stream.indirect_vreg.gather [hbm4b:s1+s3], $0x80, v3, vm0, $0xb8;
	[tilespmem:$0x18100] =	vst v63  }
0x3e: {  	s25 =	simm.s32 $0x4900  }
0x3f: {  	[tilespmem:s25], [sflag:$0x1] =	stream.indirect_vreg.gather [hbm4b:s4+s3], $0x80, v3, vm0, $0xb8;
	[tilespmem:$0x18100] =	vst v63  }
0x40: {  	s26 =	simm.s32 $0x5100  }
0x41: {  	[tilespmem:s26], [sflag:$0x1] =	stream.indirect_vreg.gather [hbm4b:s5+s3], $0x80, v3, vm0, $0xb8;
	[tilespmem:$0x18100] =	vst v63  }
0x42: {  	s28 =	simm.s32 $0x5900  }
0x43: {  	[tilespmem:s28], [sflag:$0x1] =	stream.indirect_vreg.gather [hbm4b:s6+s3], $0x80, v3, vm0, $0xb8;
	[tilespmem:$0x18100] =	vst v63  }
0x44: {  	s29 =	simm.s32 $0x6100  }
0x45: {  	[tilespmem:s29], [sflag:$0x1] =	stream.indirect_vreg.gather [hbm4b:s7+s3], $0x80, v3, vm0, $0xb8;
	[tilespmem:$0x18100] =	vst v63  }
0x46: {  	s30 =	simm.s32 $0x6900  }
0x47: {  	[tilespmem:s30], [sflag:$0x1] =	stream.indirect_vreg.gather [hbm4b:s8+s3], $0x80, v3, vm0, $0xb8;
	[tilespmem:$0x18100] =	vst v63  }
0x48: {  	s0 =	simm.s32 $0x7100  }
0x49: {  	[tilespmem:s0], [sflag:$0x1] =	stream.indirect_vreg.gather [hbm4b:s9+s3], $0x80, v3, vm0, $0xb8;
	[tilespmem:$0x18100] =	vst v63  }
0x4a: {  	s13 =	simm.s32 $0x7900  }
0x4b: {  	[tilespmem:s13], [sflag:$0x1] =	stream.indirect_vreg.gather [hbm4b:s10+s3], $0x80, v3, vm0, $0xb8;
	[tilespmem:$0x18100] =	vst v63  }
0x4c: {  	v3 =	vld [tilespmem:$0x10];
	_ =	sdelay $0x4  }
0x4d: {  	v49 =	vshll.u32 v3, $0x4  }
0x4e: {  	v3 =	vand.u32 $0x7, v3;
	v4 =	vand.u32 $0xFFFFFF80, v49  }
0x4f: {  	v3 =	vor.u32 v3, v4  }
0x50: {  	v4 =	vperm.xlane v3, v0;
	_ =	sdelay $0x1  }
0x51: {  	v4 =	vadd.s32 v1, v4;
	_ =	sdelay $0x3  }
0x52: {  	s0 =	simm.s32 $0x8100  }
0x53: {  	[tilespmem:s0], [sflag:$0x2] =	stream.indirect_vreg.gather [hbm4b:s1+s3], $0x80, v4, vm0, $0xb8;
	[tilespmem:$0x18100] =	vst v63  }
0x54: {  	s13 =	simm.s32 $0x8900  }
0x55: {  	[tilespmem:s13], [sflag:$0x2] =	stream.indirect_vreg.gather [hbm4b:s4+s3], $0x80, v4, vm0, $0xb8;
	[tilespmem:$0x18100] =	vst v63  }
0x56: {  	s19 =	simm.s32 $0x9100  }
0x57: {  	[tilespmem:s19], [sflag:$0x2] =	stream.indirect_vreg.gather [hbm4b:s5+s3], $0x80, v4, vm0, $0xb8;
	[tilespmem:$0x18100] =	vst v63  }
0x58: {  	s0 =	simm.s32 $0x9900  }
0x59: {  	[tilespmem:s0], [sflag:$0x2] =	stream.indirect_vreg.gather [hbm4b:s6+s3], $0x80, v4, vm0, $0xb8;
	[tilespmem:$0x18100] =	vst v63  }
0x5a: {  	s17 =	simm.s32 $0xA100  }
0x5b: {  	[tilespmem:s17], [sflag:$0x2] =	stream.indirect_vreg.gather [hbm4b:s7+s3], $0x80, v4, vm0, $0xb8;
	[tilespmem:$0x18100] =	vst v63  }
0x5c: {  	v3 =	vperm.xlane v3, v2;
	s19 =	simm.s32 $0xA900  }
0x5d: {  	[tilespmem:s19], [sflag:$0x2] =	stream.indirect_vreg.gather [hbm4b:s8+s3], $0x80, v4, vm0, $0xb8;
	[tilespmem:$0x18100] =	vst v63  }
0x5e: {  	v3 =	vadd.s32 v1, v3;
	s0 =	simm.s32 $0xB100  }
0x5f: {  	[tilespmem:s0], [sflag:$0x2] =	stream.indirect_vreg.gather [hbm4b:s9+s3], $0x80, v4, vm0, $0xb8;
	[tilespmem:$0x18100] =	vst v63  }
0x60: {  	s17 =	simm.s32 $0xB900  }
0x61: {  	[tilespmem:s17], [sflag:$0x2] =	stream.indirect_vreg.gather [hbm4b:s10+s3], $0x80, v4, vm0, $0xb8;
	[tilespmem:$0x18100] =	vst v63  }
0x62: {  	s19 =	simm.s32 $0xC100  }
0x63: {  	[tilespmem:s19], [sflag:$0x2] =	stream.indirect_vreg.gather [hbm4b:s1+s3], $0x80, v3, vm0, $0xb8;
	[tilespmem:$0x18100] =	vst v63  }
0x64: {  	s0 =	simm.s32 $0xC900  }
0x65: {  	[tilespmem:s0], [sflag:$0x2] =	stream.indirect_vreg.gather [hbm4b:s4+s3], $0x80, v3, vm0, $0xb8;
	[tilespmem:$0x18100] =	vst v63  }
0x66: {  	s17 =	simm.s32 $0xD100  }
0x67: {  	[tilespmem:s17], [sflag:$0x2] =	stream.indirect_vreg.gather [hbm4b:s5+s3], $0x80, v3, vm0, $0xb8;
	[tilespmem:$0x18100] =	vst v63  }
0x68: {  	s19 =	simm.s32 $0xD900  }
0x69: {  	[tilespmem:s19], [sflag:$0x2] =	stream.indirect_vreg.gather [hbm4b:s6+s3], $0x80, v3, vm0, $0xb8;
	[tilespmem:$0x18100] =	vst v63  }
0x6a: {  	s0 =	simm.s32 $0xE100  }
0x6b: {  	[tilespmem:s0], [sflag:$0x2] =	stream.indirect_vreg.gather [hbm4b:s7+s3], $0x80, v3, vm0, $0xb8;
	[tilespmem:$0x18100] =	vst v63  }
0x6c: {  	s17 =	simm.s32 $0xE900  }
0x6d: {  	[tilespmem:s17], [sflag:$0x2] =	stream.indirect_vreg.gather [hbm4b:s8+s3], $0x80, v3, vm0, $0xb8;
	[tilespmem:$0x18100] =	vst v63  }
0x6e: {  	s19 =	simm.s32 $0xF100  }
0x6f: {  	[tilespmem:s19], [sflag:$0x2] =	stream.indirect_vreg.gather [hbm4b:s9+s3], $0x80, v3, vm0, $0xb8;
	[tilespmem:$0x18100] =	vst v63  }
0x70: {  	s0 =	simm.s32 $0xF900  }
0x71: {  	[tilespmem:s0], [sflag:$0x2] =	stream.indirect_vreg.gather [hbm4b:s10+s3], $0x80, v3, vm0, $0xb8;
	[tilespmem:$0x18100] =	vst v63  }
0x72: {  	_ =	swait.ge [sflag:s12], $0x8000  }
0x73: {  	[sflag:s12] =	ssyncset.done $0x0  }
0x74: {  	s13 =	rddreg [dreg:$0x5];
	[sflag:s12] =	ssyncadd.s32 $0xFFFF8000  }
0x75: {  	[hbm4b:s13+s3] =	stream.linear.scatter [tilespmem:s18], [sflag:$0x4], $0x8000, $0x38;
	[tilespmem:$0x18100] =	vst v63  }
0x76: {  	v3 =	vld [tilespmem:$0x20];
	_ =	sdelay $0x4  }
0x77: {  	v50 =	vshll.u32 v3, $0x4  }
0x78: {  	v3 =	vand.u32 $0x7, v3;
	v4 =	vand.u32 $0xFFFFFF80, v50  }
0x79: {  	v3 =	vor.u32 v3, v4  }
0x7a: {  	v4 =	vperm.xlane v3, v0;
	_ =	sdelay $0x1  }
0x7b: {  	v4 =	vadd.s32 v1, v4;
	_ =	sdelay $0x3  }
0x7c: {  	s17 =	simm.s32 $0x10100  }
0x7d: {  	[tilespmem:s17], [sflag:$0x3] =	stream.indirect_vreg.gather [hbm4b:s1+s3], $0x80, v4, vm0, $0xb8;
	[tilespmem:$0x18100] =	vst v63  }
0x7e: {  	s19 =	simm.s32 $0x10900  }
0x7f: {  	[tilespmem:s19], [sflag:$0x3] =	stream.indirect_vreg.gather [hbm4b:s4+s3], $0x80, v4, vm0, $0xb8;
	[tilespmem:$0x18100] =	vst v63  }
0x80: {  	s0 =	simm.s32 $0x11100  }
0x81: {  	[tilespmem:s0], [sflag:$0x3] =	stream.indirect_vreg.gather [hbm4b:s5+s3], $0x80, v4, vm0, $0xb8;
	[tilespmem:$0x18100] =	vst v63  }
0x82: {  	s19 =	simm.s32 $0x11900  }
0x83: {  	[tilespmem:s19], [sflag:$0x3] =	stream.indirect_vreg.gather [hbm4b:s6+s3], $0x80, v4, vm0, $0xb8;
	[tilespmem:$0x18100] =	vst v63  }
0x84: {  	s0 =	simm.s32 $0x12100  }
0x85: {  	[tilespmem:s0], [sflag:$0x3] =	stream.indirect_vreg.gather [hbm4b:s7+s3], $0x80, v4, vm0, $0xb8;
	[tilespmem:$0x18100] =	vst v63  }
0x86: {  	v3 =	vperm.xlane v3, v2;
	s19 =	simm.s32 $0x12900  }
0x87: {  	[tilespmem:s19], [sflag:$0x3] =	stream.indirect_vreg.gather [hbm4b:s8+s3], $0x80, v4, vm0, $0xb8;
	[tilespmem:$0x18100] =	vst v63  }
0x88: {  	v3 =	vadd.s32 v1, v3;
	s0 =	simm.s32 $0x13100  }
0x89: {  	[tilespmem:s0], [sflag:$0x3] =	stream.indirect_vreg.gather [hbm4b:s9+s3], $0x80, v4, vm0, $0xb8;
	[tilespmem:$0x18100] =	vst v63  }
0x8a: {  	s19 =	simm.s32 $0x13900  }
0x8b: {  	[tilespmem:s19], [sflag:$0x3] =	stream.indirect_vreg.gather [hbm4b:s10+s3], $0x80, v4, vm0, $0xb8;
	[tilespmem:$0x18100] =	vst v63  }
0x8c: {  	s0 =	simm.s32 $0x14100  }
0x8d: {  	[tilespmem:s0], [sflag:$0x3] =	stream.indirect_vreg.gather [hbm4b:s1+s3], $0x80, v3, vm0, $0xb8;
	[tilespmem:$0x18100] =	vst v63  }
0x8e: {  	s19 =	simm.s32 $0x14900  }
0x8f: {  	[tilespmem:s19], [sflag:$0x3] =	stream.indirect_vreg.gather [hbm4b:s4+s3], $0x80, v3, vm0, $0xb8;
	[tilespmem:$0x18100] =	vst v63  }
0x90: {  	s0 =	simm.s32 $0x15100  }
0x91: {  	[tilespmem:s0], [sflag:$0x3] =	stream.indirect_vreg.gather [hbm4b:s5+s3], $0x80, v3, vm0, $0xb8;
	[tilespmem:$0x18100] =	vst v63  }
0x92: {  	s19 =	simm.s32 $0x15900  }
0x93: {  	[tilespmem:s19], [sflag:$0x3] =	stream.indirect_vreg.gather [hbm4b:s6+s3], $0x80, v3, vm0, $0xb8;
	[tilespmem:$0x18100] =	vst v63  }
0x94: {  	s0 =	simm.s32 $0x16100  }
0x95: {  	[tilespmem:s0], [sflag:$0x3] =	stream.indirect_vreg.gather [hbm4b:s7+s3], $0x80, v3, vm0, $0xb8;
	[tilespmem:$0x18100] =	vst v63  }
0x96: {  	s19 =	simm.s32 $0x16900  }
0x97: {  	[tilespmem:s19], [sflag:$0x3] =	stream.indirect_vreg.gather [hbm4b:s8+s3], $0x80, v3, vm0, $0xb8;
	[tilespmem:$0x18100] =	vst v63  }
0x98: {  	s0 =	simm.s32 $0x17100  }
0x99: {  	[tilespmem:s0], [sflag:$0x3] =	stream.indirect_vreg.gather [hbm4b:s9+s3], $0x80, v3, vm0, $0xb8;
	[tilespmem:$0x18100] =	vst v63  }
0x9a: {  	s19 =	simm.s32 $0x17900  }
0x9b: {  	[tilespmem:s19], [sflag:$0x3] =	stream.indirect_vreg.gather [hbm4b:s10+s3], $0x80, v3, vm0, $0xb8;
	[tilespmem:$0x18100] =	vst v63  }
0x9c: {  	_ =	swait.ge [sflag:s31], $0x8000  }
0x9d: {  	[sflag:s31] =	ssyncset.done $0x0  }
0x9e: {  	s19 =	simm.s32 $0x8100;
	s0 =	rddreg [dreg:$0x6];
	[sflag:s31] =	ssyncadd.s32 $0xFFFF8000  }
0x9f: {  	[hbm4b:s0+s3] =	stream.linear.scatter [tilespmem:s19], [sflag:$0x5], $0x8000, $0x38;
	[tilespmem:$0x18100] =	vst v63  }
0xa0: {  	_ =	swait.ge [sflag:s2], $0x8000  }
0xa1: {  	[sflag:s2] =	ssyncset.done $0x0  }
0xa2: {  	[sflag:s2] =	ssyncadd.s32 $0xFFFF8000  }
0xa3: {  	v3 =	vld [tilespmem:$0x30];
	_ =	sdelay $0x4  }
0xa4: {  	v51 =	vshll.u32 v3, $0x4  }
0xa5: {  	v3 =	vand.u32 $0x7, v3;
	v4 =	vand.u32 $0xFFFFFF80, v51  }
0xa6: {  	v3 =	vor.u32 v3, v4  }
0xa7: {  	v4 =	vperm.xlane v3, v0;
	_ =	sdelay $0x1  }
0xa8: {  	v4 =	vadd.s32 v1, v4;
	_ =	sdelay $0x4  }
0xa9: {  	[tilespmem:s18], [sflag:$0x1] =	stream.indirect_vreg.gather [hbm4b:s1+s3], $0x80, v4, vm0, $0xb8;
	[tilespmem:$0x18100] =	vst v63  }
0xaa: {  	s17 =	simm.s32 $0x900  }
0xab: {  	[tilespmem:s17], [sflag:$0x1] =	stream.indirect_vreg.gather [hbm4b:s4+s3], $0x80, v4, vm0, $0xb8;
	[tilespmem:$0x18100] =	vst v63  }
0xac: {  	s17 =	simm.s32 $0x1100  }
0xad: {  	[tilespmem:s17], [sflag:$0x1] =	stream.indirect_vreg.gather [hbm4b:s5+s3], $0x80, v4, vm0, $0xb8;
	[tilespmem:$0x18100] =	vst v63  }
0xae: {  	s17 =	simm.s32 $0x1900  }
0xaf: {  	[tilespmem:s17], [sflag:$0x1] =	stream.indirect_vreg.gather [hbm4b:s6+s3], $0x80, v4, vm0, $0xb8;
	[tilespmem:$0x18100] =	vst v63  }
0xb0: {  	s21 =	simm.s32 $0x2100  }
0xb1: {  	[tilespmem:s21], [sflag:$0x1] =	stream.indirect_vreg.gather [hbm4b:s7+s3], $0x80, v4, vm0, $0xb8;
	[tilespmem:$0x18100] =	vst v63  }
0xb2: {  	s11 =	simm.s32 $0x2900;
	v3 =	vperm.xlane v3, v2  }
0xb3: {  	[tilespmem:s11], [sflag:$0x1] =	stream.indirect_vreg.gather [hbm4b:s8+s3], $0x80, v4, vm0, $0xb8;
	[tilespmem:$0x18100] =	vst v63  }
0xb4: {  	v3 =	vadd.s32 v1, v3;
	s21 =	simm.s32 $0x3100  }
0xb5: {  	[tilespmem:s21], [sflag:$0x1] =	stream.indirect_vreg.gather [hbm4b:s9+s3], $0x80, v4, vm0, $0xb8;
	[tilespmem:$0x18100] =	vst v63  }
0xb6: {  	s20 =	simm.s32 $0x3900  }
0xb7: {  	[tilespmem:s20], [sflag:$0x1] =	stream.indirect_vreg.gather [hbm4b:s10+s3], $0x80, v4, vm0, $0xb8;
	[tilespmem:$0x18100] =	vst v63  }
0xb8: {  	s22 =	simm.s32 $0x4100  }
0xb9: {  	[tilespmem:s22], [sflag:$0x1] =	stream.indirect_vreg.gather [hbm4b:s1+s3], $0x80, v3, vm0, $0xb8;
	[tilespmem:$0x18100] =	vst v63  }
0xba: {  	s23 =	simm.s32 $0x4900  }
0xbb: {  	[tilespmem:s23], [sflag:$0x1] =	stream.indirect_vreg.gather [hbm4b:s4+s3], $0x80, v3, vm0, $0xb8;
	[tilespmem:$0x18100] =	vst v63  }
0xbc: {  	s24 =	simm.s32 $0x5100  }
0xbd: {  	[tilespmem:s24], [sflag:$0x1] =	stream.indirect_vreg.gather [hbm4b:s5+s3], $0x80, v3, vm0, $0xb8;
	[tilespmem:$0x18100] =	vst v63  }
0xbe: {  	s25 =	simm.s32 $0x5900  }
0xbf: {  	[tilespmem:s25], [sflag:$0x1] =	stream.indirect_vreg.gather [hbm4b:s6+s3], $0x80, v3, vm0, $0xb8;
	[tilespmem:$0x18100] =	vst v63  }
0xc0: {  	s26 =	simm.s32 $0x6100  }
0xc1: {  	[tilespmem:s26], [sflag:$0x1] =	stream.indirect_vreg.gather [hbm4b:s7+s3], $0x80, v3, vm0, $0xb8;
	[tilespmem:$0x18100] =	vst v63  }
0xc2: {  	s28 =	simm.s32 $0x6900  }
0xc3: {  	[tilespmem:s28], [sflag:$0x1] =	stream.indirect_vreg.gather [hbm4b:s8+s3], $0x80, v3, vm0, $0xb8;
	[tilespmem:$0x18100] =	vst v63  }
0xc4: {  	s29 =	simm.s32 $0x7100  }
0xc5: {  	[tilespmem:s29], [sflag:$0x1] =	stream.indirect_vreg.gather [hbm4b:s9+s3], $0x80, v3, vm0, $0xb8;
	[tilespmem:$0x18100] =	vst v63  }
0xc6: {  	s30 =	simm.s32 $0x7900  }
0xc7: {  	[tilespmem:s30], [sflag:$0x1] =	stream.indirect_vreg.gather [hbm4b:s10+s3], $0x80, v3, vm0, $0xb8;
	[tilespmem:$0x18100] =	vst v63  }
0xc8: {  	_ =	swait.ge [sflag:s14], $0x8000  }
0xc9: {  	[sflag:s14] =	ssyncset.done $0x0  }
0xca: {  	s13 =	simm.s32 $0x10100;
	s29 =	rddreg [dreg:$0x7];
	[sflag:s14] =	ssyncadd.s32 $0xFFFF8000  }
0xcb: {  	[hbm4b:s29+s3] =	stream.linear.scatter [tilespmem:s13], [sflag:$0x6], $0x8000, $0x38;
	[tilespmem:$0x18100] =	vst v63  }
0xcc: {  	_ =	swait.ge [sflag:s15], $0x8000  }
0xcd: {  	[sflag:s15] =	ssyncset.done $0x0  }
0xce: {  	[sflag:s15] =	ssyncadd.s32 $0xFFFF8000  }
0xcf: {  	v3 =	vld [tilespmem:$0x40];
	_ =	sdelay $0x4  }
0xd0: {  	v52 =	vshll.u32 v3, $0x4  }
0xd1: {  	v3 =	vand.u32 $0x7, v3;
	v4 =	vand.u32 $0xFFFFFF80, v52  }
0xd2: {  	v3 =	vor.u32 v3, v4  }
0xd3: {  	v4 =	vperm.xlane v3, v0;
	_ =	sdelay $0x1  }
0xd4: {  	v4 =	vadd.s32 v1, v4;
	_ =	sdelay $0x4  }
0xd5: {  	[tilespmem:s19], [sflag:$0x2] =	stream.indirect_vreg.gather [hbm4b:s1+s3], $0x80, v4, vm0, $0xb8;
	[tilespmem:$0x18100] =	vst v63  }
0xd6: {  	s20 =	simm.s32 $0x8900  }
0xd7: {  	[tilespmem:s20], [sflag:$0x2] =	stream.indirect_vreg.gather [hbm4b:s4+s3], $0x80, v4, vm0, $0xb8;
	[tilespmem:$0x18100] =	vst v63  }
0xd8: {  	s22 =	simm.s32 $0x9100  }
0xd9: {  	[tilespmem:s22], [sflag:$0x2] =	stream.indirect_vreg.gather [hbm4b:s5+s3], $0x80, v4, vm0, $0xb8;
	[tilespmem:$0x18100] =	vst v63  }
0xda: {  	s23 =	simm.s32 $0x9900  }
0xdb: {  	[tilespmem:s23], [sflag:$0x2] =	stream.indirect_vreg.gather [hbm4b:s6+s3], $0x80, v4, vm0, $0xb8;
	[tilespmem:$0x18100] =	vst v63  }
0xdc: {  	s19 =	simm.s32 $0xA100  }
0xdd: {  	[tilespmem:s19], [sflag:$0x2] =	stream.indirect_vreg.gather [hbm4b:s7+s3], $0x80, v4, vm0, $0xb8;
	[tilespmem:$0x18100] =	vst v63  }
0xde: {  	s30 =	simm.s32 $0xA900;
	v3 =	vperm.xlane v3, v2  }
0xdf: {  	[tilespmem:s30], [sflag:$0x2] =	stream.indirect_vreg.gather [hbm4b:s8+s3], $0x80, v4, vm0, $0xb8;
	[tilespmem:$0x18100] =	vst v63  }
0xe0: {  	s24 =	simm.s32 $0xB100;
	v3 =	vadd.s32 v1, v3  }
0xe1: {  	[tilespmem:s24], [sflag:$0x2] =	stream.indirect_vreg.gather [hbm4b:s9+s3], $0x80, v4, vm0, $0xb8;
	[tilespmem:$0x18100] =	vst v63  }
0xe2: {  	s25 =	simm.s32 $0xB900  }
0xe3: {  	[tilespmem:s25], [sflag:$0x2] =	stream.indirect_vreg.gather [hbm4b:s10+s3], $0x80, v4, vm0, $0xb8;
	[tilespmem:$0x18100] =	vst v63  }
0xe4: {  	s26 =	simm.s32 $0xC100  }
0xe5: {  	[tilespmem:s26], [sflag:$0x2] =	stream.indirect_vreg.gather [hbm4b:s1+s3], $0x80, v3, vm0, $0xb8;
	[tilespmem:$0x18100] =	vst v63  }
0xe6: {  	s28 =	simm.s32 $0xC900  }
0xe7: {  	[tilespmem:s28], [sflag:$0x2] =	stream.indirect_vreg.gather [hbm4b:s4+s3], $0x80, v3, vm0, $0xb8;
	[tilespmem:$0x18100] =	vst v63  }
0xe8: {  	s29 =	simm.s32 $0xD100  }
0xe9: {  	[tilespmem:s29], [sflag:$0x2] =	stream.indirect_vreg.gather [hbm4b:s5+s3], $0x80, v3, vm0, $0xb8;
	[tilespmem:$0x18100] =	vst v63  }
0xea: {  	s30 =	simm.s32 $0xD900  }
0xeb: {  	[tilespmem:s30], [sflag:$0x2] =	stream.indirect_vreg.gather [hbm4b:s6+s3], $0x80, v3, vm0, $0xb8;
	[tilespmem:$0x18100] =	vst v63  }
0xec: {  	s21 =	simm.s32 $0xE100  }
0xed: {  	[tilespmem:s21], [sflag:$0x2] =	stream.indirect_vreg.gather [hbm4b:s7+s3], $0x80, v3, vm0, $0xb8;
	[tilespmem:$0x18100] =	vst v63  }
0xee: {  	s17 =	simm.s32 $0xE900  }
0xef: {  	[tilespmem:s17], [sflag:$0x2] =	stream.indirect_vreg.gather [hbm4b:s8+s3], $0x80, v3, vm0, $0xb8;
	[tilespmem:$0x18100] =	vst v63  }
0xf0: {  	s17 =	simm.s32 $0xF100  }
0xf1: {  	[tilespmem:s17], [sflag:$0x2] =	stream.indirect_vreg.gather [hbm4b:s9+s3], $0x80, v3, vm0, $0xb8;
	[tilespmem:$0x18100] =	vst v63  }
0xf2: {  	s17 =	simm.s32 $0xF900  }
0xf3: {  	[tilespmem:s17], [sflag:$0x2] =	stream.indirect_vreg.gather [hbm4b:s10+s3], $0x80, v3, vm0, $0xb8;
	[tilespmem:$0x18100] =	vst v63  }
0xf4: {  	_ =	swait.ge [sflag:s12], $0x8000  }
0xf5: {  	[sflag:s12] =	ssyncset.done $0x0  }
0xf6: {  	s11 =	rddreg [dreg:$0x8];
	[sflag:s12] =	ssyncadd.s32 $0xFFFF8000  }
0xf7: {  	[hbm4b:s11+s3] =	stream.linear.scatter [tilespmem:s18], [sflag:$0x4], $0x8000, $0x38;
	[tilespmem:$0x18100] =	vst v63  }
0xf8: {  	_ =	swait.ge [sflag:s16], $0x8000  }
0xf9: {  	[sflag:s16] =	ssyncset.done $0x0  }
0xfa: {  	[sflag:s16] =	ssyncadd.s32 $0xFFFF8000  }
0xfb: {  	v3 =	vld [tilespmem:$0x50];
	_ =	sdelay $0x4  }
0xfc: {  	v53 =	vshll.u32 v3, $0x4  }
0xfd: {  	v3 =	vand.u32 $0x7, v3;
	v4 =	vand.u32 $0xFFFFFF80, v53  }
0xfe: {  	v3 =	vor.u32 v3, v4  }
0xff: {  	v4 =	vperm.xlane v3, v0;
	_ =	sdelay $0x1  }
0x100: {  	v4 =	vadd.s32 v1, v4;
	_ =	sdelay $0x3  }
0x101: {  	s0 =	simm.s32 $0x10100  }
0x102: {  	[tilespmem:s0], [sflag:$0x3] =	stream.indirect_vreg.gather [hbm4b:s1+s3], $0x80, v4, vm0, $0xb8;
	[tilespmem:$0x18100] =	vst v63  }
0x103: {  	s17 =	simm.s32 $0x10900  }
0x104: {  	[tilespmem:s17], [sflag:$0x3] =	stream.indirect_vreg.gather [hbm4b:s4+s3], $0x80, v4, vm0, $0xb8;
	[tilespmem:$0x18100] =	vst v63  }
0x105: {  	s17 =	simm.s32 $0x11100  }
0x106: {  	[tilespmem:s17], [sflag:$0x3] =	stream.indirect_vreg.gather [hbm4b:s5+s3], $0x80, v4, vm0, $0xb8;
	[tilespmem:$0x18100] =	vst v63  }
0x107: {  	s17 =	simm.s32 $0x11900  }
0x108: {  	[tilespmem:s17], [sflag:$0x3] =	stream.indirect_vreg.gather [hbm4b:s6+s3], $0x80, v4, vm0, $0xb8;
	[tilespmem:$0x18100] =	vst v63  }
0x109: {  	s17 =	simm.s32 $0x12100  }
0x10a: {  	[tilespmem:s17], [sflag:$0x3] =	stream.indirect_vreg.gather [hbm4b:s7+s3], $0x80, v4, vm0, $0xb8;
	[tilespmem:$0x18100] =	vst v63  }
0x10b: {  	v3 =	vperm.xlane v3, v2;
	s17 =	simm.s32 $0x12900  }
0x10c: {  	[tilespmem:s17], [sflag:$0x3] =	stream.indirect_vreg.gather [hbm4b:s8+s3], $0x80, v4, vm0, $0xb8;
	[tilespmem:$0x18100] =	vst v63  }
0x10d: {  	v3 =	vadd.s32 v1, v3;
	s17 =	simm.s32 $0x13100  }
0x10e: {  	[tilespmem:s17], [sflag:$0x3] =	stream.indirect_vreg.gather [hbm4b:s9+s3], $0x80, v4, vm0, $0xb8;
	[tilespmem:$0x18100] =	vst v63  }
0x10f: {  	s17 =	simm.s32 $0x13900  }
0x110: {  	[tilespmem:s17], [sflag:$0x3] =	stream.indirect_vreg.gather [hbm4b:s10+s3], $0x80, v4, vm0, $0xb8;
	[tilespmem:$0x18100] =	vst v63  }
0x111: {  	s17 =	simm.s32 $0x14100  }
0x112: {  	[tilespmem:s17], [sflag:$0x3] =	stream.indirect_vreg.gather [hbm4b:s1+s3], $0x80, v3, vm0, $0xb8;
	[tilespmem:$0x18100] =	vst v63  }
0x113: {  	s17 =	simm.s32 $0x14900  }
0x114: {  	[tilespmem:s17], [sflag:$0x3] =	stream.indirect_vreg.gather [hbm4b:s4+s3], $0x80, v3, vm0, $0xb8;
	[tilespmem:$0x18100] =	vst v63  }
0x115: {  	s17 =	simm.s32 $0x15100  }
0x116: {  	[tilespmem:s17], [sflag:$0x3] =	stream.indirect_vreg.gather [hbm4b:s5+s3], $0x80, v3, vm0, $0xb8;
	[tilespmem:$0x18100] =	vst v63  }
0x117: {  	s17 =	simm.s32 $0x15900  }
0x118: {  	[tilespmem:s17], [sflag:$0x3] =	stream.indirect_vreg.gather [hbm4b:s6+s3], $0x80, v3, vm0, $0xb8;
	[tilespmem:$0x18100] =	vst v63  }
0x119: {  	s17 =	simm.s32 $0x16100  }
0x11a: {  	[tilespmem:s17], [sflag:$0x3] =	stream.indirect_vreg.gather [hbm4b:s7+s3], $0x80, v3, vm0, $0xb8;
	[tilespmem:$0x18100] =	vst v63  }
0x11b: {  	s17 =	simm.s32 $0x16900  }
0x11c: {  	[tilespmem:s17], [sflag:$0x3] =	stream.indirect_vreg.gather [hbm4b:s8+s3], $0x80, v3, vm0, $0xb8;
	[tilespmem:$0x18100] =	vst v63  }
0x11d: {  	s17 =	simm.s32 $0x17100  }
0x11e: {  	[tilespmem:s17], [sflag:$0x3] =	stream.indirect_vreg.gather [hbm4b:s9+s3], $0x80, v3, vm0, $0xb8;
	[tilespmem:$0x18100] =	vst v63  }
0x11f: {  	s17 =	simm.s32 $0x17900  }
0x120: {  	[tilespmem:s17], [sflag:$0x3] =	stream.indirect_vreg.gather [hbm4b:s10+s3], $0x80, v3, vm0, $0xb8;
	[tilespmem:$0x18100] =	vst v63  }
0x121: {  	_ =	swait.ge [sflag:s31], $0x8000  }
0x122: {  	[sflag:s31] =	ssyncset.done $0x0  }
0x123: {  	s13 =	simm.s32 $0x8100;
	s0 =	rddreg [dreg:$0x9];
	[sflag:s31] =	ssyncadd.s32 $0xFFFF8000  }
0x124: {  	[hbm4b:s0+s3] =	stream.linear.scatter [tilespmem:s13], [sflag:$0x5], $0x8000, $0x38;
	[tilespmem:$0x18100] =	vst v63  }
0x125: {  	_ =	swait.ge [sflag:s2], $0x8000  }
0x126: {  	[sflag:s2] =	ssyncset.done $0x0  }
0x127: {  	[sflag:s2] =	ssyncadd.s32 $0xFFFF8000  }
0x128: {  	v3 =	vld [tilespmem:$0x60];
	_ =	sdelay $0x4  }
0x129: {  	v54 =	vshll.u32 v3, $0x4  }
0x12a: {  	v3 =	vand.u32 $0x7, v3;
	v4 =	vand.u32 $0xFFFFFF80, v54  }
0x12b: {  	v3 =	vor.u32 v3, v4  }
0x12c: {  	v4 =	vperm.xlane v3, v0;
	_ =	sdelay $0x1  }
0x12d: {  	v4 =	vadd.s32 v1, v4;
	_ =	sdelay $0x4  }
0x12e: {  	[tilespmem:s18], [sflag:$0x1] =	stream.indirect_vreg.gather [hbm4b:s1+s3], $0x80, v4, vm0, $0xb8;
	[tilespmem:$0x18100] =	vst v63  }
0x12f: {  	s17 =	simm.s32 $0x900  }
0x130: {  	[tilespmem:s17], [sflag:$0x1] =	stream.indirect_vreg.gather [hbm4b:s4+s3], $0x80, v4, vm0, $0xb8;
	[tilespmem:$0x18100] =	vst v63  }
0x131: {  	s17 =	simm.s32 $0x1100  }
0x132: {  	[tilespmem:s17], [sflag:$0x1] =	stream.indirect_vreg.gather [hbm4b:s5+s3], $0x80, v4, vm0, $0xb8;
	[tilespmem:$0x18100] =	vst v63  }
0x133: {  	s17 =	simm.s32 $0x1900  }
0x134: {  	[tilespmem:s17], [sflag:$0x1] =	stream.indirect_vreg.gather [hbm4b:s6+s3], $0x80, v4, vm0, $0xb8;
	[tilespmem:$0x18100] =	vst v63  }
0x135: {  	s17 =	simm.s32 $0x2100  }
0x136: {  	[tilespmem:s17], [sflag:$0x1] =	stream.indirect_vreg.gather [hbm4b:s7+s3], $0x80, v4, vm0, $0xb8;
	[tilespmem:$0x18100] =	vst v63  }
0x137: {  	v3 =	vperm.xlane v3, v2;
	s17 =	simm.s32 $0x2900  }
0x138: {  	[tilespmem:s17], [sflag:$0x1] =	stream.indirect_vreg.gather [hbm4b:s8+s3], $0x80, v4, vm0, $0xb8;
	[tilespmem:$0x18100] =	vst v63  }
0x139: {  	v3 =	vadd.s32 v1, v3;
	s17 =	simm.s32 $0x3100  }
0x13a: {  	[tilespmem:s17], [sflag:$0x1] =	stream.indirect_vreg.gather [hbm4b:s9+s3], $0x80, v4, vm0, $0xb8;
	[tilespmem:$0x18100] =	vst v63  }
0x13b: {  	s17 =	simm.s32 $0x3900  }
0x13c: {  	[tilespmem:s17], [sflag:$0x1] =	stream.indirect_vreg.gather [hbm4b:s10+s3], $0x80, v4, vm0, $0xb8;
	[tilespmem:$0x18100] =	vst v63  }
0x13d: {  	s17 =	simm.s32 $0x4100  }
0x13e: {  	[tilespmem:s17], [sflag:$0x1] =	stream.indirect_vreg.gather [hbm4b:s1+s3], $0x80, v3, vm0, $0xb8;
	[tilespmem:$0x18100] =	vst v63  }
0x13f: {  	s17 =	simm.s32 $0x4900  }
0x140: {  	[tilespmem:s17], [sflag:$0x1] =	stream.indirect_vreg.gather [hbm4b:s4+s3], $0x80, v3, vm0, $0xb8;
	[tilespmem:$0x18100] =	vst v63  }
0x141: {  	s17 =	simm.s32 $0x5100  }
0x142: {  	[tilespmem:s17], [sflag:$0x1] =	stream.indirect_vreg.gather [hbm4b:s5+s3], $0x80, v3, vm0, $0xb8;
	[tilespmem:$0x18100] =	vst v63  }
0x143: {  	s17 =	simm.s32 $0x5900  }
0x144: {  	[tilespmem:s17], [sflag:$0x1] =	stream.indirect_vreg.gather [hbm4b:s6+s3], $0x80, v3, vm0, $0xb8;
	[tilespmem:$0x18100] =	vst v63  }
0x145: {  	s17 =	simm.s32 $0x6100  }
0x146: {  	[tilespmem:s17], [sflag:$0x1] =	stream.indirect_vreg.gather [hbm4b:s7+s3], $0x80, v3, vm0, $0xb8;
	[tilespmem:$0x18100] =	vst v63  }
0x147: {  	s17 =	simm.s32 $0x6900  }
0x148: {  	[tilespmem:s17], [sflag:$0x1] =	stream.indirect_vreg.gather [hbm4b:s8+s3], $0x80, v3, vm0, $0xb8;
	[tilespmem:$0x18100] =	vst v63  }
0x149: {  	s17 =	simm.s32 $0x7100  }
0x14a: {  	[tilespmem:s17], [sflag:$0x1] =	stream.indirect_vreg.gather [hbm4b:s9+s3], $0x80, v3, vm0, $0xb8;
	[tilespmem:$0x18100] =	vst v63  }
0x14b: {  	s17 =	simm.s32 $0x7900  }
0x14c: {  	[tilespmem:s17], [sflag:$0x1] =	stream.indirect_vreg.gather [hbm4b:s10+s3], $0x80, v3, vm0, $0xb8;
	[tilespmem:$0x18100] =	vst v63  }
0x14d: {  	_ =	swait.ge [sflag:s14], $0x8000  }
0x14e: {  	[sflag:s14] =	ssyncset.done $0x0  }
0x14f: {  	s11 =	simm.s32 $0x10100;
	s13 =	rddreg [dreg:$0xa];
	[sflag:s14] =	ssyncadd.s32 $0xFFFF8000  }
0x150: {  	[hbm4b:s13+s3] =	stream.linear.scatter [tilespmem:s11], [sflag:$0x6], $0x8000, $0x38;
	[tilespmem:$0x18100] =	vst v63  }
0x151: {  	_ =	swait.ge [sflag:s15], $0x8000  }
0x152: {  	[sflag:s15] =	ssyncset.done $0x0  }
0x153: {  	[sflag:s15] =	ssyncadd.s32 $0xFFFF8000  }
0x154: {  	v3 =	vld [tilespmem:$0x70];
	_ =	sdelay $0x4  }
0x155: {  	v55 =	vshll.u32 v3, $0x4  }
0x156: {  	v3 =	vand.u32 $0x7, v3;
	v4 =	vand.u32 $0xFFFFFF80, v55  }
0x157: {  	v3 =	vor.u32 v3, v4  }
0x158: {  	v4 =	vperm.xlane v3, v0;
	_ =	sdelay $0x1  }
0x159: {  	v4 =	vadd.s32 v1, v4;
	_ =	sdelay $0x3  }
0x15a: {  	s0 =	simm.s32 $0x8100  }
0x15b: {  	[tilespmem:s0], [sflag:$0x2] =	stream.indirect_vreg.gather [hbm4b:s1+s3], $0x80, v4, vm0, $0xb8;
	[tilespmem:$0x18100] =	vst v63  }
0x15c: {  	_ = 	snop  }
0x15d: {  	[tilespmem:s20], [sflag:$0x2] =	stream.indirect_vreg.gather [hbm4b:s4+s3], $0x80, v4, vm0, $0xb8;
	[tilespmem:$0x18100] =	vst v63  }
0x15e: {  	_ = 	snop  }
0x15f: {  	[tilespmem:s22], [sflag:$0x2] =	stream.indirect_vreg.gather [hbm4b:s5+s3], $0x80, v4, vm0, $0xb8;
	[tilespmem:$0x18100] =	vst v63  }
0x160: {  	_ = 	snop  }
0x161: {  	[tilespmem:s23], [sflag:$0x2] =	stream.indirect_vreg.gather [hbm4b:s6+s3], $0x80, v4, vm0, $0xb8;
	[tilespmem:$0x18100] =	vst v63  }
0x162: {  	_ = 	snop  }
0x163: {  	[tilespmem:s19], [sflag:$0x2] =	stream.indirect_vreg.gather [hbm4b:s7+s3], $0x80, v4, vm0, $0xb8;
	[tilespmem:$0x18100] =	vst v63  }
0x164: {  	v3 =	vperm.xlane v3, v2;
	s19 =	simm.s32 $0xA900  }
0x165: {  	[tilespmem:s19], [sflag:$0x2] =	stream.indirect_vreg.gather [hbm4b:s8+s3], $0x80, v4, vm0, $0xb8;
	[tilespmem:$0x18100] =	vst v63  }
0x166: {  	v3 =	vadd.s32 v1, v3  }
0x167: {  	[tilespmem:s24], [sflag:$0x2] =	stream.indirect_vreg.gather [hbm4b:s9+s3], $0x80, v4, vm0, $0xb8;
	[tilespmem:$0x18100] =	vst v63  }
0x168: {  	_ = 	snop  }
0x169: {  	[tilespmem:s25], [sflag:$0x2] =	stream.indirect_vreg.gather [hbm4b:s10+s3], $0x80, v4, vm0, $0xb8;
	[tilespmem:$0x18100] =	vst v63  }
0x16a: {  	_ = 	snop  }
0x16b: {  	[tilespmem:s26], [sflag:$0x2] =	stream.indirect_vreg.gather [hbm4b:s1+s3], $0x80, v3, vm0, $0xb8;
	[tilespmem:$0x18100] =	vst v63  }
0x16c: {  	_ = 	snop  }
0x16d: {  	[tilespmem:s28], [sflag:$0x2] =	stream.indirect_vreg.gather [hbm4b:s4+s3], $0x80, v3, vm0, $0xb8;
	[tilespmem:$0x18100] =	vst v63  }
0x16e: {  	_ = 	snop  }
0x16f: {  	[tilespmem:s29], [sflag:$0x2] =	stream.indirect_vreg.gather [hbm4b:s5+s3], $0x80, v3, vm0, $0xb8;
	[tilespmem:$0x18100] =	vst v63  }
0x170: {  	_ = 	snop  }
0x171: {  	[tilespmem:s30], [sflag:$0x2] =	stream.indirect_vreg.gather [hbm4b:s6+s3], $0x80, v3, vm0, $0xb8;
	[tilespmem:$0x18100] =	vst v63  }
0x172: {  	_ = 	snop  }
0x173: {  	[tilespmem:s21], [sflag:$0x2] =	stream.indirect_vreg.gather [hbm4b:s7+s3], $0x80, v3, vm0, $0xb8;
	[tilespmem:$0x18100] =	vst v63  }
0x174: {  	s21 =	simm.s32 $0xE900  }
0x175: {  	[tilespmem:s21], [sflag:$0x2] =	stream.indirect_vreg.gather [hbm4b:s8+s3], $0x80, v3, vm0, $0xb8;
	[tilespmem:$0x18100] =	vst v63  }
0x176: {  	s19 =	simm.s32 $0xF100  }
0x177: {  	[tilespmem:s19], [sflag:$0x2] =	stream.indirect_vreg.gather [hbm4b:s9+s3], $0x80, v3, vm0, $0xb8;
	[tilespmem:$0x18100] =	vst v63  }
0x178: {  	s21 =	simm.s32 $0xF900  }
0x179: {  	[tilespmem:s21], [sflag:$0x2] =	stream.indirect_vreg.gather [hbm4b:s10+s3], $0x80, v3, vm0, $0xb8;
	[tilespmem:$0x18100] =	vst v63  }
0x17a: {  	_ =	swait.ge [sflag:s12], $0x8000  }
0x17b: {  	[sflag:s12] =	ssyncset.done $0x0  }
0x17c: {  	s21 =	rddreg [dreg:$0xb];
	[sflag:s12] =	ssyncadd.s32 $0xFFFF8000  }
0x17d: {  	[hbm4b:s21+s3] =	stream.linear.scatter [tilespmem:s18], [sflag:$0x4], $0x8000, $0x38;
	[tilespmem:$0x18100] =	vst v63  }
0x17e: {  	_ =	swait.ge [sflag:s16], $0x8000  }
0x17f: {  	[sflag:s16] =	ssyncset.done $0x0  }
0x180: {  	[sflag:s16] =	ssyncadd.s32 $0xFFFF8000  }
0x181: {  	v3 =	vld [tilespmem:$0x80];
	_ =	sdelay $0x4  }
0x182: {  	v56 =	vshll.u32 v3, $0x4  }
0x183: {  	v3 =	vand.u32 $0x7, v3;
	v4 =	vand.u32 $0xFFFFFF80, v56  }
0x184: {  	v3 =	vor.u32 v3, v4  }
0x185: {  	v4 =	vperm.xlane v3, v0;
	_ =	sdelay $0x1  }
0x186: {  	v4 =	vadd.s32 v1, v4;
	_ =	sdelay $0x3  }
0x187: {  	s11 =	simm.s32 $0x10100  }
0x188: {  	[tilespmem:s11], [sflag:$0x3] =	stream.indirect_vreg.gather [hbm4b:s1+s3], $0x80, v4, vm0, $0xb8;
	[tilespmem:$0x18100] =	vst v63  }
0x189: {  	s21 =	simm.s32 $0x10900  }
0x18a: {  	[tilespmem:s21], [sflag:$0x3] =	stream.indirect_vreg.gather [hbm4b:s4+s3], $0x80, v4, vm0, $0xb8;
	[tilespmem:$0x18100] =	vst v63  }
0x18b: {  	s21 =	simm.s32 $0x11100  }
0x18c: {  	[tilespmem:s21], [sflag:$0x3] =	stream.indirect_vreg.gather [hbm4b:s5+s3], $0x80, v4, vm0, $0xb8;
	[tilespmem:$0x18100] =	vst v63  }
0x18d: {  	s21 =	simm.s32 $0x11900  }
0x18e: {  	[tilespmem:s21], [sflag:$0x3] =	stream.indirect_vreg.gather [hbm4b:s6+s3], $0x80, v4, vm0, $0xb8;
	[tilespmem:$0x18100] =	vst v63  }
0x18f: {  	s21 =	simm.s32 $0x12100  }
0x190: {  	[tilespmem:s21], [sflag:$0x3] =	stream.indirect_vreg.gather [hbm4b:s7+s3], $0x80, v4, vm0, $0xb8;
	[tilespmem:$0x18100] =	vst v63  }
0x191: {  	v3 =	vperm.xlane v3, v2;
	s21 =	simm.s32 $0x12900  }
0x192: {  	[tilespmem:s21], [sflag:$0x3] =	stream.indirect_vreg.gather [hbm4b:s8+s3], $0x80, v4, vm0, $0xb8;
	[tilespmem:$0x18100] =	vst v63  }
0x193: {  	v3 =	vadd.s32 v1, v3;
	s21 =	simm.s32 $0x13100  }
0x194: {  	[tilespmem:s21], [sflag:$0x3] =	stream.indirect_vreg.gather [hbm4b:s9+s3], $0x80, v4, vm0, $0xb8;
	[tilespmem:$0x18100] =	vst v63  }
0x195: {  	s21 =	simm.s32 $0x13900  }
0x196: {  	[tilespmem:s21], [sflag:$0x3] =	stream.indirect_vreg.gather [hbm4b:s10+s3], $0x80, v4, vm0, $0xb8;
	[tilespmem:$0x18100] =	vst v63  }
0x197: {  	s21 =	simm.s32 $0x14100  }
0x198: {  	[tilespmem:s21], [sflag:$0x3] =	stream.indirect_vreg.gather [hbm4b:s1+s3], $0x80, v3, vm0, $0xb8;
	[tilespmem:$0x18100] =	vst v63  }
0x199: {  	s21 =	simm.s32 $0x14900  }
0x19a: {  	[tilespmem:s21], [sflag:$0x3] =	stream.indirect_vreg.gather [hbm4b:s4+s3], $0x80, v3, vm0, $0xb8;
	[tilespmem:$0x18100] =	vst v63  }
0x19b: {  	s21 =	simm.s32 $0x15100  }
0x19c: {  	[tilespmem:s21], [sflag:$0x3] =	stream.indirect_vreg.gather [hbm4b:s5+s3], $0x80, v3, vm0, $0xb8;
	[tilespmem:$0x18100] =	vst v63  }
0x19d: {  	s21 =	simm.s32 $0x15900  }
0x19e: {  	[tilespmem:s21], [sflag:$0x3] =	stream.indirect_vreg.gather [hbm4b:s6+s3], $0x80, v3, vm0, $0xb8;
	[tilespmem:$0x18100] =	vst v63  }
0x19f: {  	s21 =	simm.s32 $0x16100  }
0x1a0: {  	[tilespmem:s21], [sflag:$0x3] =	stream.indirect_vreg.gather [hbm4b:s7+s3], $0x80, v3, vm0, $0xb8;
	[tilespmem:$0x18100] =	vst v63  }
0x1a1: {  	s21 =	simm.s32 $0x16900  }
0x1a2: {  	[tilespmem:s21], [sflag:$0x3] =	stream.indirect_vreg.gather [hbm4b:s8+s3], $0x80, v3, vm0, $0xb8;
	[tilespmem:$0x18100] =	vst v63  }
0x1a3: {  	s21 =	simm.s32 $0x17100  }
0x1a4: {  	[tilespmem:s21], [sflag:$0x3] =	stream.indirect_vreg.gather [hbm4b:s9+s3], $0x80, v3, vm0, $0xb8;
	[tilespmem:$0x18100] =	vst v63  }
0x1a5: {  	s21 =	simm.s32 $0x17900  }
0x1a6: {  	[tilespmem:s21], [sflag:$0x3] =	stream.indirect_vreg.gather [hbm4b:s10+s3], $0x80, v3, vm0, $0xb8;
	[tilespmem:$0x18100] =	vst v63  }
0x1a7: {  	_ =	swait.ge [sflag:s31], $0x8000  }
0x1a8: {  	[sflag:s31] =	ssyncset.done $0x0  }
0x1a9: {  	s0 =	simm.s32 $0x8100;
	s21 =	rddreg [dreg:$0xc];
	[sflag:s31] =	ssyncadd.s32 $0xFFFF8000  }
0x1aa: {  	[hbm4b:s21+s3] =	stream.linear.scatter [tilespmem:s0], [sflag:$0x5], $0x8000, $0x38;
	[tilespmem:$0x18100] =	vst v63  }
0x1ab: {  	_ =	swait.ge [sflag:s2], $0x8000  }
0x1ac: {  	[sflag:s2] =	ssyncset.done $0x0  }
0x1ad: {  	[sflag:s2] =	ssyncadd.s32 $0xFFFF8000  }
0x1ae: {  	v3 =	vld [tilespmem:$0x90];
	_ =	sdelay $0x4  }
0x1af: {  	v57 =	vshll.u32 v3, $0x4  }
0x1b0: {  	v3 =	vand.u32 $0x7, v3;
	v4 =	vand.u32 $0xFFFFFF80, v57  }
0x1b1: {  	v3 =	vor.u32 v3, v4  }
0x1b2: {  	v4 =	vperm.xlane v3, v0;
	_ =	sdelay $0x1  }
0x1b3: {  	v4 =	vadd.s32 v1, v4;
	_ =	sdelay $0x4  }
0x1b4: {  	[tilespmem:s18], [sflag:$0x1] =	stream.indirect_vreg.gather [hbm4b:s1+s3], $0x80, v4, vm0, $0xb8;
	[tilespmem:$0x18100] =	vst v63  }
0x1b5: {  	s21 =	simm.s32 $0x900  }
0x1b6: {  	[tilespmem:s21], [sflag:$0x1] =	stream.indirect_vreg.gather [hbm4b:s4+s3], $0x80, v4, vm0, $0xb8;
	[tilespmem:$0x18100] =	vst v63  }
0x1b7: {  	s21 =	simm.s32 $0x1100  }
0x1b8: {  	[tilespmem:s21], [sflag:$0x1] =	stream.indirect_vreg.gather [hbm4b:s5+s3], $0x80, v4, vm0, $0xb8;
	[tilespmem:$0x18100] =	vst v63  }
0x1b9: {  	s21 =	simm.s32 $0x1900  }
0x1ba: {  	[tilespmem:s21], [sflag:$0x1] =	stream.indirect_vreg.gather [hbm4b:s6+s3], $0x80, v4, vm0, $0xb8;
	[tilespmem:$0x18100] =	vst v63  }
0x1bb: {  	s21 =	simm.s32 $0x2100  }
0x1bc: {  	[tilespmem:s21], [sflag:$0x1] =	stream.indirect_vreg.gather [hbm4b:s7+s3], $0x80, v4, vm0, $0xb8;
	[tilespmem:$0x18100] =	vst v63  }
0x1bd: {  	v3 =	vperm.xlane v3, v2;
	s21 =	simm.s32 $0x2900  }
0x1be: {  	[tilespmem:s21], [sflag:$0x1] =	stream.indirect_vreg.gather [hbm4b:s8+s3], $0x80, v4, vm0, $0xb8;
	[tilespmem:$0x18100] =	vst v63  }
0x1bf: {  	v3 =	vadd.s32 v1, v3;
	s21 =	simm.s32 $0x3100  }
0x1c0: {  	[tilespmem:s21], [sflag:$0x1] =	stream.indirect_vreg.gather [hbm4b:s9+s3], $0x80, v4, vm0, $0xb8;
	[tilespmem:$0x18100] =	vst v63  }
0x1c1: {  	s21 =	simm.s32 $0x3900  }
0x1c2: {  	[tilespmem:s21], [sflag:$0x1] =	stream.indirect_vreg.gather [hbm4b:s10+s3], $0x80, v4, vm0, $0xb8;
	[tilespmem:$0x18100] =	vst v63  }
0x1c3: {  	s21 =	simm.s32 $0x4100  }
0x1c4: {  	[tilespmem:s21], [sflag:$0x1] =	stream.indirect_vreg.gather [hbm4b:s1+s3], $0x80, v3, vm0, $0xb8;
	[tilespmem:$0x18100] =	vst v63  }
0x1c5: {  	s21 =	simm.s32 $0x4900  }
0x1c6: {  	[tilespmem:s21], [sflag:$0x1] =	stream.indirect_vreg.gather [hbm4b:s4+s3], $0x80, v3, vm0, $0xb8;
	[tilespmem:$0x18100] =	vst v63  }
0x1c7: {  	s21 =	simm.s32 $0x5100  }
0x1c8: {  	[tilespmem:s21], [sflag:$0x1] =	stream.indirect_vreg.gather [hbm4b:s5+s3], $0x80, v3, vm0, $0xb8;
	[tilespmem:$0x18100] =	vst v63  }
0x1c9: {  	s21 =	simm.s32 $0x5900  }
0x1ca: {  	[tilespmem:s21], [sflag:$0x1] =	stream.indirect_vreg.gather [hbm4b:s6+s3], $0x80, v3, vm0, $0xb8;
	[tilespmem:$0x18100] =	vst v63  }
0x1cb: {  	s21 =	simm.s32 $0x6100  }
0x1cc: {  	[tilespmem:s21], [sflag:$0x1] =	stream.indirect_vreg.gather [hbm4b:s7+s3], $0x80, v3, vm0, $0xb8;
	[tilespmem:$0x18100] =	vst v63  }
0x1cd: {  	s21 =	simm.s32 $0x6900  }
0x1ce: {  	[tilespmem:s21], [sflag:$0x1] =	stream.indirect_vreg.gather [hbm4b:s8+s3], $0x80, v3, vm0, $0xb8;
	[tilespmem:$0x18100] =	vst v63  }
0x1cf: {  	s21 =	simm.s32 $0x7100  }
0x1d0: {  	[tilespmem:s21], [sflag:$0x1] =	stream.indirect_vreg.gather [hbm4b:s9+s3], $0x80, v3, vm0, $0xb8;
	[tilespmem:$0x18100] =	vst v63  }
0x1d1: {  	s21 =	simm.s32 $0x7900  }
0x1d2: {  	[tilespmem:s21], [sflag:$0x1] =	stream.indirect_vreg.gather [hbm4b:s10+s3], $0x80, v3, vm0, $0xb8;
	[tilespmem:$0x18100] =	vst v63  }
0x1d3: {  	_ =	swait.ge [sflag:s14], $0x8000  }
0x1d4: {  	[sflag:s14] =	ssyncset.done $0x0  }
0x1d5: {  	s21 =	rddreg [dreg:$0xd];
	[sflag:s14] =	ssyncadd.s32 $0xFFFF8000  }
0x1d6: {  	[hbm4b:s21+s3] =	stream.linear.scatter [tilespmem:s11], [sflag:$0x6], $0x8000, $0x38;
	[tilespmem:$0x18100] =	vst v63  }
0x1d7: {  	_ =	swait.ge [sflag:s15], $0x8000  }
0x1d8: {  	[sflag:s15] =	ssyncset.done $0x0  }
0x1d9: {  	[sflag:s15] =	ssyncadd.s32 $0xFFFF8000  }
0x1da: {  	v3 =	vld [tilespmem:$0xA0];
	_ =	sdelay $0x4  }
0x1db: {  	v58 =	vshll.u32 v3, $0x4  }
0x1dc: {  	v3 =	vand.u32 $0x7, v3;
	v4 =	vand.u32 $0xFFFFFF80, v58  }
0x1dd: {  	v3 =	vor.u32 v3, v4  }
0x1de: {  	v4 =	vperm.xlane v3, v0;
	_ =	sdelay $0x1  }
0x1df: {  	v4 =	vadd.s32 v1, v4;
	_ =	sdelay $0x4  }
0x1e0: {  	[tilespmem:s0], [sflag:$0x2] =	stream.indirect_vreg.gather [hbm4b:s1+s3], $0x80, v4, vm0, $0xb8;
	[tilespmem:$0x18100] =	vst v63  }
0x1e1: {  	s13 =	simm.s32 $0x8900  }
0x1e2: {  	[tilespmem:s13], [sflag:$0x2] =	stream.indirect_vreg.gather [hbm4b:s4+s3], $0x80, v4, vm0, $0xb8;
	[tilespmem:$0x18100] =	vst v63  }
0x1e3: {  	s22 =	simm.s32 $0x9100  }
0x1e4: {  	[tilespmem:s22], [sflag:$0x2] =	stream.indirect_vreg.gather [hbm4b:s5+s3], $0x80, v4, vm0, $0xb8;
	[tilespmem:$0x18100] =	vst v63  }
0x1e5: {  	s23 =	simm.s32 $0x9900  }
0x1e6: {  	[tilespmem:s23], [sflag:$0x2] =	stream.indirect_vreg.gather [hbm4b:s6+s3], $0x80, v4, vm0, $0xb8;
	[tilespmem:$0x18100] =	vst v63  }
0x1e7: {  	s20 =	simm.s32 $0xA100  }
0x1e8: {  	[tilespmem:s20], [sflag:$0x2] =	stream.indirect_vreg.gather [hbm4b:s7+s3], $0x80, v4, vm0, $0xb8;
	[tilespmem:$0x18100] =	vst v63  }
0x1e9: {  	v3 =	vperm.xlane v3, v2;
	s23 =	simm.s32 $0xA900  }
0x1ea: {  	[tilespmem:s23], [sflag:$0x2] =	stream.indirect_vreg.gather [hbm4b:s8+s3], $0x80, v4, vm0, $0xb8;
	[tilespmem:$0x18100] =	vst v63  }
0x1eb: {  	s24 =	simm.s32 $0xB100;
	v3 =	vadd.s32 v1, v3  }
0x1ec: {  	[tilespmem:s24], [sflag:$0x2] =	stream.indirect_vreg.gather [hbm4b:s9+s3], $0x80, v4, vm0, $0xb8;
	[tilespmem:$0x18100] =	vst v63  }
0x1ed: {  	s25 =	simm.s32 $0xB900  }
0x1ee: {  	[tilespmem:s25], [sflag:$0x2] =	stream.indirect_vreg.gather [hbm4b:s10+s3], $0x80, v4, vm0, $0xb8;
	[tilespmem:$0x18100] =	vst v63  }
0x1ef: {  	s26 =	simm.s32 $0xC100  }
0x1f0: {  	[tilespmem:s26], [sflag:$0x2] =	stream.indirect_vreg.gather [hbm4b:s1+s3], $0x80, v3, vm0, $0xb8;
	[tilespmem:$0x18100] =	vst v63  }
0x1f1: {  	s28 =	simm.s32 $0xC900  }
0x1f2: {  	[tilespmem:s28], [sflag:$0x2] =	stream.indirect_vreg.gather [hbm4b:s4+s3], $0x80, v3, vm0, $0xb8;
	[tilespmem:$0x18100] =	vst v63  }
0x1f3: {  	s29 =	simm.s32 $0xD100  }
0x1f4: {  	[tilespmem:s29], [sflag:$0x2] =	stream.indirect_vreg.gather [hbm4b:s5+s3], $0x80, v3, vm0, $0xb8;
	[tilespmem:$0x18100] =	vst v63  }
0x1f5: {  	s30 =	simm.s32 $0xD900  }
0x1f6: {  	[tilespmem:s30], [sflag:$0x2] =	stream.indirect_vreg.gather [hbm4b:s6+s3], $0x80, v3, vm0, $0xb8;
	[tilespmem:$0x18100] =	vst v63  }
0x1f7: {  	s30 =	simm.s32 $0xE100  }
0x1f8: {  	[tilespmem:s30], [sflag:$0x2] =	stream.indirect_vreg.gather [hbm4b:s7+s3], $0x80, v3, vm0, $0xb8;
	[tilespmem:$0x18100] =	vst v63  }
0x1f9: {  	s17 =	simm.s32 $0xE900  }
0x1fa: {  	[tilespmem:s17], [sflag:$0x2] =	stream.indirect_vreg.gather [hbm4b:s8+s3], $0x80, v3, vm0, $0xb8;
	[tilespmem:$0x18100] =	vst v63  }
0x1fb: {  	s19 =	simm.s32 $0xF100  }
0x1fc: {  	[tilespmem:s19], [sflag:$0x2] =	stream.indirect_vreg.gather [hbm4b:s9+s3], $0x80, v3, vm0, $0xb8;
	[tilespmem:$0x18100] =	vst v63  }
0x1fd: {  	s17 =	simm.s32 $0xF900  }
0x1fe: {  	[tilespmem:s17], [sflag:$0x2] =	stream.indirect_vreg.gather [hbm4b:s10+s3], $0x80, v3, vm0, $0xb8;
	[tilespmem:$0x18100] =	vst v63  }
0x1ff: {  	_ =	swait.ge [sflag:s12], $0x8000  }
0x200: {  	[sflag:s12] =	ssyncset.done $0x0  }
0x201: {  	s17 =	rddreg [dreg:$0xe];
	[sflag:s12] =	ssyncadd.s32 $0xFFFF8000  }
0x202: {  	[hbm4b:s17+s3] =	stream.linear.scatter [tilespmem:s18], [sflag:$0x4], $0x8000, $0x38;
	[tilespmem:$0x18100] =	vst v63  }
0x203: {  	_ =	swait.ge [sflag:s16], $0x8000  }
0x204: {  	[sflag:s16] =	ssyncset.done $0x0  }
0x205: {  	[sflag:s16] =	ssyncadd.s32 $0xFFFF8000  }
0x206: {  	v3 =	vld [tilespmem:$0xB0];
	_ =	sdelay $0x4  }
0x207: {  	v59 =	vshll.u32 v3, $0x4  }
0x208: {  	v3 =	vand.u32 $0x7, v3;
	v4 =	vand.u32 $0xFFFFFF80, v59  }
0x209: {  	v3 =	vor.u32 v3, v4  }
0x20a: {  	v4 =	vperm.xlane v3, v0;
	_ =	sdelay $0x1  }
0x20b: {  	v4 =	vadd.s32 v1, v4;
	_ =	sdelay $0x4  }
0x20c: {  	[tilespmem:s11], [sflag:$0x3] =	stream.indirect_vreg.gather [hbm4b:s1+s3], $0x80, v4, vm0, $0xb8;
	[tilespmem:$0x18100] =	vst v63  }
0x20d: {  	s17 =	simm.s32 $0x10900  }
0x20e: {  	[tilespmem:s17], [sflag:$0x3] =	stream.indirect_vreg.gather [hbm4b:s4+s3], $0x80, v4, vm0, $0xb8;
	[tilespmem:$0x18100] =	vst v63  }
0x20f: {  	s17 =	simm.s32 $0x11100  }
0x210: {  	[tilespmem:s17], [sflag:$0x3] =	stream.indirect_vreg.gather [hbm4b:s5+s3], $0x80, v4, vm0, $0xb8;
	[tilespmem:$0x18100] =	vst v63  }
0x211: {  	s17 =	simm.s32 $0x11900  }
0x212: {  	[tilespmem:s17], [sflag:$0x3] =	stream.indirect_vreg.gather [hbm4b:s6+s3], $0x80, v4, vm0, $0xb8;
	[tilespmem:$0x18100] =	vst v63  }
0x213: {  	s17 =	simm.s32 $0x12100  }
0x214: {  	[tilespmem:s17], [sflag:$0x3] =	stream.indirect_vreg.gather [hbm4b:s7+s3], $0x80, v4, vm0, $0xb8;
	[tilespmem:$0x18100] =	vst v63  }
0x215: {  	v3 =	vperm.xlane v3, v2;
	s17 =	simm.s32 $0x12900  }
0x216: {  	[tilespmem:s17], [sflag:$0x3] =	stream.indirect_vreg.gather [hbm4b:s8+s3], $0x80, v4, vm0, $0xb8;
	[tilespmem:$0x18100] =	vst v63  }
0x217: {  	v3 =	vadd.s32 v1, v3;
	s17 =	simm.s32 $0x13100  }
0x218: {  	[tilespmem:s17], [sflag:$0x3] =	stream.indirect_vreg.gather [hbm4b:s9+s3], $0x80, v4, vm0, $0xb8;
	[tilespmem:$0x18100] =	vst v63  }
0x219: {  	s17 =	simm.s32 $0x13900  }
0x21a: {  	[tilespmem:s17], [sflag:$0x3] =	stream.indirect_vreg.gather [hbm4b:s10+s3], $0x80, v4, vm0, $0xb8;
	[tilespmem:$0x18100] =	vst v63  }
0x21b: {  	s17 =	simm.s32 $0x14100  }
0x21c: {  	[tilespmem:s17], [sflag:$0x3] =	stream.indirect_vreg.gather [hbm4b:s1+s3], $0x80, v3, vm0, $0xb8;
	[tilespmem:$0x18100] =	vst v63  }
0x21d: {  	s17 =	simm.s32 $0x14900  }
0x21e: {  	[tilespmem:s17], [sflag:$0x3] =	stream.indirect_vreg.gather [hbm4b:s4+s3], $0x80, v3, vm0, $0xb8;
	[tilespmem:$0x18100] =	vst v63  }
0x21f: {  	s17 =	simm.s32 $0x15100  }
0x220: {  	[tilespmem:s17], [sflag:$0x3] =	stream.indirect_vreg.gather [hbm4b:s5+s3], $0x80, v3, vm0, $0xb8;
	[tilespmem:$0x18100] =	vst v63  }
0x221: {  	s17 =	simm.s32 $0x15900  }
0x222: {  	[tilespmem:s17], [sflag:$0x3] =	stream.indirect_vreg.gather [hbm4b:s6+s3], $0x80, v3, vm0, $0xb8;
	[tilespmem:$0x18100] =	vst v63  }
0x223: {  	s17 =	simm.s32 $0x16100  }
0x224: {  	[tilespmem:s17], [sflag:$0x3] =	stream.indirect_vreg.gather [hbm4b:s7+s3], $0x80, v3, vm0, $0xb8;
	[tilespmem:$0x18100] =	vst v63  }
0x225: {  	s17 =	simm.s32 $0x16900  }
0x226: {  	[tilespmem:s17], [sflag:$0x3] =	stream.indirect_vreg.gather [hbm4b:s8+s3], $0x80, v3, vm0, $0xb8;
	[tilespmem:$0x18100] =	vst v63  }
0x227: {  	s17 =	simm.s32 $0x17100  }
0x228: {  	[tilespmem:s17], [sflag:$0x3] =	stream.indirect_vreg.gather [hbm4b:s9+s3], $0x80, v3, vm0, $0xb8;
	[tilespmem:$0x18100] =	vst v63  }
0x229: {  	s17 =	simm.s32 $0x17900  }
0x22a: {  	[tilespmem:s17], [sflag:$0x3] =	stream.indirect_vreg.gather [hbm4b:s10+s3], $0x80, v3, vm0, $0xb8;
	[tilespmem:$0x18100] =	vst v63  }
0x22b: {  	_ =	swait.ge [sflag:s31], $0x8000  }
0x22c: {  	[sflag:s31] =	ssyncset.done $0x0  }
0x22d: {  	s17 =	rddreg [dreg:$0xf];
	[sflag:s31] =	ssyncadd.s32 $0xFFFF8000  }
0x22e: {  	[hbm4b:s17+s3] =	stream.linear.scatter [tilespmem:s0], [sflag:$0x5], $0x8000, $0x38;
	[tilespmem:$0x18100] =	vst v63  }
0x22f: {  	_ =	swait.ge [sflag:s2], $0x8000  }
0x230: {  	[sflag:s2] =	ssyncset.done $0x0  }
0x231: {  	[sflag:s2] =	ssyncadd.s32 $0xFFFF8000  }
0x232: {  	v3 =	vld [tilespmem:$0xC0];
	_ =	sdelay $0x4  }
0x233: {  	v60 =	vshll.u32 v3, $0x4  }
0x234: {  	v3 =	vand.u32 $0x7, v3;
	v4 =	vand.u32 $0xFFFFFF80, v60  }
0x235: {  	v3 =	vor.u32 v3, v4  }
0x236: {  	v4 =	vperm.xlane v3, v0;
	_ =	sdelay $0x1  }
0x237: {  	v4 =	vadd.s32 v1, v4;
	_ =	sdelay $0x4  }
0x238: {  	[tilespmem:s18], [sflag:$0x1] =	stream.indirect_vreg.gather [hbm4b:s1+s3], $0x80, v4, vm0, $0xb8;
	[tilespmem:$0x18100] =	vst v63  }
0x239: {  	s17 =	simm.s32 $0x900  }
0x23a: {  	[tilespmem:s17], [sflag:$0x1] =	stream.indirect_vreg.gather [hbm4b:s4+s3], $0x80, v4, vm0, $0xb8;
	[tilespmem:$0x18100] =	vst v63  }
0x23b: {  	s17 =	simm.s32 $0x1100  }
0x23c: {  	[tilespmem:s17], [sflag:$0x1] =	stream.indirect_vreg.gather [hbm4b:s5+s3], $0x80, v4, vm0, $0xb8;
	[tilespmem:$0x18100] =	vst v63  }
0x23d: {  	s17 =	simm.s32 $0x1900  }
0x23e: {  	[tilespmem:s17], [sflag:$0x1] =	stream.indirect_vreg.gather [hbm4b:s6+s3], $0x80, v4, vm0, $0xb8;
	[tilespmem:$0x18100] =	vst v63  }
0x23f: {  	s17 =	simm.s32 $0x2100  }
0x240: {  	[tilespmem:s17], [sflag:$0x1] =	stream.indirect_vreg.gather [hbm4b:s7+s3], $0x80, v4, vm0, $0xb8;
	[tilespmem:$0x18100] =	vst v63  }
0x241: {  	v3 =	vperm.xlane v3, v2;
	s17 =	simm.s32 $0x2900  }
0x242: {  	[tilespmem:s17], [sflag:$0x1] =	stream.indirect_vreg.gather [hbm4b:s8+s3], $0x80, v4, vm0, $0xb8;
	[tilespmem:$0x18100] =	vst v63  }
0x243: {  	v3 =	vadd.s32 v1, v3;
	s17 =	simm.s32 $0x3100  }
0x244: {  	[tilespmem:s17], [sflag:$0x1] =	stream.indirect_vreg.gather [hbm4b:s9+s3], $0x80, v4, vm0, $0xb8;
	[tilespmem:$0x18100] =	vst v63  }
0x245: {  	s17 =	simm.s32 $0x3900  }
0x246: {  	[tilespmem:s17], [sflag:$0x1] =	stream.indirect_vreg.gather [hbm4b:s10+s3], $0x80, v4, vm0, $0xb8;
	[tilespmem:$0x18100] =	vst v63  }
0x247: {  	s17 =	simm.s32 $0x4100  }
0x248: {  	[tilespmem:s17], [sflag:$0x1] =	stream.indirect_vreg.gather [hbm4b:s1+s3], $0x80, v3, vm0, $0xb8;
	[tilespmem:$0x18100] =	vst v63  }
0x249: {  	s17 =	simm.s32 $0x4900  }
0x24a: {  	[tilespmem:s17], [sflag:$0x1] =	stream.indirect_vreg.gather [hbm4b:s4+s3], $0x80, v3, vm0, $0xb8;
	[tilespmem:$0x18100] =	vst v63  }
0x24b: {  	s17 =	simm.s32 $0x5100  }
0x24c: {  	[tilespmem:s17], [sflag:$0x1] =	stream.indirect_vreg.gather [hbm4b:s5+s3], $0x80, v3, vm0, $0xb8;
	[tilespmem:$0x18100] =	vst v63  }
0x24d: {  	s17 =	simm.s32 $0x5900  }
0x24e: {  	[tilespmem:s17], [sflag:$0x1] =	stream.indirect_vreg.gather [hbm4b:s6+s3], $0x80, v3, vm0, $0xb8;
	[tilespmem:$0x18100] =	vst v63  }
0x24f: {  	s17 =	simm.s32 $0x6100  }
0x250: {  	[tilespmem:s17], [sflag:$0x1] =	stream.indirect_vreg.gather [hbm4b:s7+s3], $0x80, v3, vm0, $0xb8;
	[tilespmem:$0x18100] =	vst v63  }
0x251: {  	s17 =	simm.s32 $0x6900  }
0x252: {  	[tilespmem:s17], [sflag:$0x1] =	stream.indirect_vreg.gather [hbm4b:s8+s3], $0x80, v3, vm0, $0xb8;
	[tilespmem:$0x18100] =	vst v63  }
0x253: {  	s17 =	simm.s32 $0x7100  }
0x254: {  	[tilespmem:s17], [sflag:$0x1] =	stream.indirect_vreg.gather [hbm4b:s9+s3], $0x80, v3, vm0, $0xb8;
	[tilespmem:$0x18100] =	vst v63  }
0x255: {  	s17 =	simm.s32 $0x7900  }
0x256: {  	[tilespmem:s17], [sflag:$0x1] =	stream.indirect_vreg.gather [hbm4b:s10+s3], $0x80, v3, vm0, $0xb8;
	[tilespmem:$0x18100] =	vst v63  }
0x257: {  	_ =	swait.ge [sflag:s14], $0x8000  }
0x258: {  	[sflag:s14] =	ssyncset.done $0x0  }
0x259: {  	s17 =	rddreg [dreg:$0x10];
	[sflag:s14] =	ssyncadd.s32 $0xFFFF8000  }
0x25a: {  	[hbm4b:s17+s3] =	stream.linear.scatter [tilespmem:s11], [sflag:$0x6], $0x8000, $0x38;
	[tilespmem:$0x18100] =	vst v63  }
0x25b: {  	_ =	swait.ge [sflag:s15], $0x8000  }
0x25c: {  	[sflag:s15] =	ssyncset.done $0x0  }
0x25d: {  	[sflag:s15] =	ssyncadd.s32 $0xFFFF8000  }
0x25e: {  	v3 =	vld [tilespmem:$0xD0];
	_ =	sdelay $0x4  }
0x25f: {  	v61 =	vshll.u32 v3, $0x4  }
0x260: {  	v3 =	vand.u32 $0x7, v3;
	v4 =	vand.u32 $0xFFFFFF80, v61  }
0x261: {  	v3 =	vor.u32 v3, v4  }
0x262: {  	v4 =	vperm.xlane v3, v0;
	_ =	sdelay $0x1  }
0x263: {  	v4 =	vadd.s32 v1, v4;
	_ =	sdelay $0x4  }
0x264: {  	[tilespmem:s0], [sflag:$0x2] =	stream.indirect_vreg.gather [hbm4b:s1+s3], $0x80, v4, vm0, $0xb8;
	[tilespmem:$0x18100] =	vst v63  }
0x265: {  	s13 =	simm.s32 $0x8900  }
0x266: {  	[tilespmem:s13], [sflag:$0x2] =	stream.indirect_vreg.gather [hbm4b:s4+s3], $0x80, v4, vm0, $0xb8;
	[tilespmem:$0x18100] =	vst v63  }
0x267: {  	s21 =	simm.s32 $0x9100  }
0x268: {  	[tilespmem:s21], [sflag:$0x2] =	stream.indirect_vreg.gather [hbm4b:s5+s3], $0x80, v4, vm0, $0xb8;
	[tilespmem:$0x18100] =	vst v63  }
0x269: {  	s22 =	simm.s32 $0x9900  }
0x26a: {  	[tilespmem:s22], [sflag:$0x2] =	stream.indirect_vreg.gather [hbm4b:s6+s3], $0x80, v4, vm0, $0xb8;
	[tilespmem:$0x18100] =	vst v63  }
0x26b: {  	s20 =	simm.s32 $0xA100  }
0x26c: {  	[tilespmem:s20], [sflag:$0x2] =	stream.indirect_vreg.gather [hbm4b:s7+s3], $0x80, v4, vm0, $0xb8;
	[tilespmem:$0x18100] =	vst v63  }
0x26d: {  	v3 =	vperm.xlane v3, v2;
	s22 =	simm.s32 $0xA900  }
0x26e: {  	[tilespmem:s22], [sflag:$0x2] =	stream.indirect_vreg.gather [hbm4b:s8+s3], $0x80, v4, vm0, $0xb8;
	[tilespmem:$0x18100] =	vst v63  }
0x26f: {  	s23 =	simm.s32 $0xB100;
	v3 =	vadd.s32 v1, v3  }
0x270: {  	[tilespmem:s23], [sflag:$0x2] =	stream.indirect_vreg.gather [hbm4b:s9+s3], $0x80, v4, vm0, $0xb8;
	[tilespmem:$0x18100] =	vst v63  }
0x271: {  	s24 =	simm.s32 $0xB900  }
0x272: {  	[tilespmem:s24], [sflag:$0x2] =	stream.indirect_vreg.gather [hbm4b:s10+s3], $0x80, v4, vm0, $0xb8;
	[tilespmem:$0x18100] =	vst v63  }
0x273: {  	s25 =	simm.s32 $0xC100  }
0x274: {  	[tilespmem:s25], [sflag:$0x2] =	stream.indirect_vreg.gather [hbm4b:s1+s3], $0x80, v3, vm0, $0xb8;
	[tilespmem:$0x18100] =	vst v63  }
0x275: {  	s26 =	simm.s32 $0xC900  }
0x276: {  	[tilespmem:s26], [sflag:$0x2] =	stream.indirect_vreg.gather [hbm4b:s4+s3], $0x80, v3, vm0, $0xb8;
	[tilespmem:$0x18100] =	vst v63  }
0x277: {  	s28 =	simm.s32 $0xD100  }
0x278: {  	[tilespmem:s28], [sflag:$0x2] =	stream.indirect_vreg.gather [hbm4b:s5+s3], $0x80, v3, vm0, $0xb8;
	[tilespmem:$0x18100] =	vst v63  }
0x279: {  	s29 =	simm.s32 $0xD900  }
0x27a: {  	[tilespmem:s29], [sflag:$0x2] =	stream.indirect_vreg.gather [hbm4b:s6+s3], $0x80, v3, vm0, $0xb8;
	[tilespmem:$0x18100] =	vst v63  }
0x27b: {  	s30 =	simm.s32 $0xE100  }
0x27c: {  	[tilespmem:s30], [sflag:$0x2] =	stream.indirect_vreg.gather [hbm4b:s7+s3], $0x80, v3, vm0, $0xb8;
	[tilespmem:$0x18100] =	vst v63  }
0x27d: {  	s17 =	simm.s32 $0xE900  }
0x27e: {  	[tilespmem:s17], [sflag:$0x2] =	stream.indirect_vreg.gather [hbm4b:s8+s3], $0x80, v3, vm0, $0xb8;
	[tilespmem:$0x18100] =	vst v63  }
0x27f: {  	s19 =	simm.s32 $0xF100  }
0x280: {  	[tilespmem:s19], [sflag:$0x2] =	stream.indirect_vreg.gather [hbm4b:s9+s3], $0x80, v3, vm0, $0xb8;
	[tilespmem:$0x18100] =	vst v63  }
0x281: {  	s19 =	simm.s32 $0xF900  }
0x282: {  	[tilespmem:s19], [sflag:$0x2] =	stream.indirect_vreg.gather [hbm4b:s10+s3], $0x80, v3, vm0, $0xb8;
	[tilespmem:$0x18100] =	vst v63  }
0x283: {  	_ =	swait.ge [sflag:s12], $0x8000  }
0x284: {  	[sflag:s12] =	ssyncset.done $0x0  }
0x285: {  	s20 =	rddreg [dreg:$0x11];
	[sflag:s12] =	ssyncadd.s32 $0xFFFF8000  }
0x286: {  	[hbm4b:s20+s3] =	stream.linear.scatter [tilespmem:s18], [sflag:$0x4], $0x8000, $0x38;
	[tilespmem:$0x18100] =	vst v63  }
0x287: {  	_ =	swait.ge [sflag:s16], $0x8000  }
0x288: {  	[sflag:s16] =	ssyncset.done $0x0  }
0x289: {  	[sflag:s16] =	ssyncadd.s32 $0xFFFF8000  }
0x28a: {  	v3 =	vld [tilespmem:$0xE0];
	_ =	sdelay $0x4  }
0x28b: {  	v62 =	vshll.u32 v3, $0x4  }
0x28c: {  	v3 =	vand.u32 $0x7, v3;
	v4 =	vand.u32 $0xFFFFFF80, v62  }
0x28d: {  	v3 =	vor.u32 v3, v4  }
0x28e: {  	v4 =	vperm.xlane v3, v0;
	_ =	sdelay $0x1  }
0x28f: {  	v4 =	vadd.s32 v1, v4;
	_ =	sdelay $0x4  }
0x290: {  	[tilespmem:s11], [sflag:$0x3] =	stream.indirect_vreg.gather [hbm4b:s1+s3], $0x80, v4, vm0, $0xb8;
	[tilespmem:$0x18100] =	vst v63  }
0x291: {  	s21 =	simm.s32 $0x10900  }
0x292: {  	[tilespmem:s21], [sflag:$0x3] =	stream.indirect_vreg.gather [hbm4b:s4+s3], $0x80, v4, vm0, $0xb8;
	[tilespmem:$0x18100] =	vst v63  }
0x293: {  	s22 =	simm.s32 $0x11100  }
0x294: {  	[tilespmem:s22], [sflag:$0x3] =	stream.indirect_vreg.gather [hbm4b:s5+s3], $0x80, v4, vm0, $0xb8;
	[tilespmem:$0x18100] =	vst v63  }
0x295: {  	s23 =	simm.s32 $0x11900  }
0x296: {  	[tilespmem:s23], [sflag:$0x3] =	stream.indirect_vreg.gather [hbm4b:s6+s3], $0x80, v4, vm0, $0xb8;
	[tilespmem:$0x18100] =	vst v63  }
0x297: {  	s24 =	simm.s32 $0x12100  }
0x298: {  	[tilespmem:s24], [sflag:$0x3] =	stream.indirect_vreg.gather [hbm4b:s7+s3], $0x80, v4, vm0, $0xb8;
	[tilespmem:$0x18100] =	vst v63  }
0x299: {  	s25 =	simm.s32 $0x12900;
	v3 =	vperm.xlane v3, v2  }
0x29a: {  	[tilespmem:s25], [sflag:$0x3] =	stream.indirect_vreg.gather [hbm4b:s8+s3], $0x80, v4, vm0, $0xb8;
	[tilespmem:$0x18100] =	vst v63  }
0x29b: {  	s26 =	simm.s32 $0x13100;
	v3 =	vadd.s32 v1, v3  }
0x29c: {  	[tilespmem:s26], [sflag:$0x3] =	stream.indirect_vreg.gather [hbm4b:s9+s3], $0x80, v4, vm0, $0xb8;
	[tilespmem:$0x18100] =	vst v63  }
0x29d: {  	s28 =	simm.s32 $0x13900  }
0x29e: {  	[tilespmem:s28], [sflag:$0x3] =	stream.indirect_vreg.gather [hbm4b:s10+s3], $0x80, v4, vm0, $0xb8;
	[tilespmem:$0x18100] =	vst v63  }
0x29f: {  	s29 =	simm.s32 $0x14100  }
0x2a0: {  	[tilespmem:s29], [sflag:$0x3] =	stream.indirect_vreg.gather [hbm4b:s1+s3], $0x80, v3, vm0, $0xb8;
	[tilespmem:$0x18100] =	vst v63  }
0x2a1: {  	s30 =	simm.s32 $0x14900  }
0x2a2: {  	[tilespmem:s30], [sflag:$0x3] =	stream.indirect_vreg.gather [hbm4b:s4+s3], $0x80, v3, vm0, $0xb8;
	[tilespmem:$0x18100] =	vst v63  }
0x2a3: {  	s17 =	simm.s32 $0x15100  }
0x2a4: {  	[tilespmem:s17], [sflag:$0x3] =	stream.indirect_vreg.gather [hbm4b:s5+s3], $0x80, v3, vm0, $0xb8;
	[tilespmem:$0x18100] =	vst v63  }
0x2a5: {  	s19 =	simm.s32 $0x15900  }
0x2a6: {  	[tilespmem:s19], [sflag:$0x3] =	stream.indirect_vreg.gather [hbm4b:s6+s3], $0x80, v3, vm0, $0xb8;
	[tilespmem:$0x18100] =	vst v63  }
0x2a7: {  	s20 =	simm.s32 $0x16100  }
0x2a8: {  	[tilespmem:s20], [sflag:$0x3] =	stream.indirect_vreg.gather [hbm4b:s7+s3], $0x80, v3, vm0, $0xb8;
	[tilespmem:$0x18100] =	vst v63  }
0x2a9: {  	s21 =	simm.s32 $0x16900  }
0x2aa: {  	[tilespmem:s21], [sflag:$0x3] =	stream.indirect_vreg.gather [hbm4b:s8+s3], $0x80, v3, vm0, $0xb8;
	[tilespmem:$0x18100] =	vst v63  }
0x2ab: {  	s22 =	simm.s32 $0x17100  }
0x2ac: {  	[tilespmem:s22], [sflag:$0x3] =	stream.indirect_vreg.gather [hbm4b:s9+s3], $0x80, v3, vm0, $0xb8;
	[tilespmem:$0x18100] =	vst v63  }
0x2ad: {  	s23 =	simm.s32 $0x17900  }
0x2ae: {  	[tilespmem:s23], [sflag:$0x3] =	stream.indirect_vreg.gather [hbm4b:s10+s3], $0x80, v3, vm0, $0xb8;
	[tilespmem:$0x18100] =	vst v63  }
0x2af: {  	_ =	swait.ge [sflag:s31], $0x8000  }
0x2b0: {  	[sflag:s31] =	ssyncset.done $0x0  }
0x2b1: {  	s24 =	rddreg [dreg:$0x12];
	[sflag:s31] =	ssyncadd.s32 $0xFFFF8000  }
0x2b2: {  	[hbm4b:s24+s3] =	stream.linear.scatter [tilespmem:s0], [sflag:$0x5], $0x8000, $0x38;
	[tilespmem:$0x18100] =	vst v63  }
0x2b3: {  	_ =	swait.ge [sflag:s2], $0x8000  }
0x2b4: {  	[sflag:s2] =	ssyncset.done $0x0  }
0x2b5: {  	[sflag:s2] =	ssyncadd.s32 $0xFFFF8000  }
0x2b6: {  	v3 =	vld [tilespmem:$0xF0];
	_ =	sdelay $0x4  }
0x2b7: {  	v63 =	vshll.u32 v3, $0x4  }
0x2b8: {  	v3 =	vand.u32 $0x7, v3;
	v4 =	vand.u32 $0xFFFFFF80, v63  }
0x2b9: {  	v3 =	vor.u32 v3, v4  }
0x2ba: {  	v4 =	vperm.xlane v3, v0;
	_ =	sdelay $0x1  }
0x2bb: {  	v4 =	vadd.s32 v1, v4;
	_ =	sdelay $0x4  }
0x2bc: {  	[tilespmem:s18], [sflag:$0x1] =	stream.indirect_vreg.gather [hbm4b:s1+s3], $0x80, v4, vm0, $0xb8;
	[tilespmem:$0x18100] =	vst v63  }
0x2bd: {  	s25 =	simm.s32 $0x900  }
0x2be: {  	[tilespmem:s25], [sflag:$0x1] =	stream.indirect_vreg.gather [hbm4b:s4+s3], $0x80, v4, vm0, $0xb8;
	[tilespmem:$0x18100] =	vst v63  }
0x2bf: {  	s26 =	simm.s32 $0x1100  }
0x2c0: {  	[tilespmem:s26], [sflag:$0x1] =	stream.indirect_vreg.gather [hbm4b:s5+s3], $0x80, v4, vm0, $0xb8;
	[tilespmem:$0x18100] =	vst v63  }
0x2c1: {  	s28 =	simm.s32 $0x1900  }
0x2c2: {  	[tilespmem:s28], [sflag:$0x1] =	stream.indirect_vreg.gather [hbm4b:s6+s3], $0x80, v4, vm0, $0xb8;
	[tilespmem:$0x18100] =	vst v63  }
0x2c3: {  	s29 =	simm.s32 $0x2100  }
0x2c4: {  	[tilespmem:s29], [sflag:$0x1] =	stream.indirect_vreg.gather [hbm4b:s7+s3], $0x80, v4, vm0, $0xb8;
	[tilespmem:$0x18100] =	vst v63  }
0x2c5: {  	s30 =	simm.s32 $0x2900;
	v3 =	vperm.xlane v3, v2  }
0x2c6: {  	[tilespmem:s30], [sflag:$0x1] =	stream.indirect_vreg.gather [hbm4b:s8+s3], $0x80, v4, vm0, $0xb8;
	[tilespmem:$0x18100] =	vst v63  }
0x2c7: {  	s13 =	simm.s32 $0x3100;
	v3 =	vadd.s32 v1, v3  }
0x2c8: {  	[tilespmem:s13], [sflag:$0x1] =	stream.indirect_vreg.gather [hbm4b:s9+s3], $0x80, v4, vm0, $0xb8;
	[tilespmem:$0x18100] =	vst v63  }
0x2c9: {  	s17 =	simm.s32 $0x3900  }
0x2ca: {  	[tilespmem:s17], [sflag:$0x1] =	stream.indirect_vreg.gather [hbm4b:s10+s3], $0x80, v4, vm0, $0xb8;
	[tilespmem:$0x18100] =	vst v63  }
0x2cb: {  	s19 =	simm.s32 $0x4100  }
0x2cc: {  	[tilespmem:s19], [sflag:$0x1] =	stream.indirect_vreg.gather [hbm4b:s1+s3], $0x80, v3, vm0, $0xb8;
	[tilespmem:$0x18100] =	vst v63  }
0x2cd: {  	s20 =	simm.s32 $0x4900  }
0x2ce: {  	[tilespmem:s20], [sflag:$0x1] =	stream.indirect_vreg.gather [hbm4b:s4+s3], $0x80, v3, vm0, $0xb8;
	[tilespmem:$0x18100] =	vst v63  }
0x2cf: {  	s21 =	simm.s32 $0x5100  }
0x2d0: {  	[tilespmem:s21], [sflag:$0x1] =	stream.indirect_vreg.gather [hbm4b:s5+s3], $0x80, v3, vm0, $0xb8;
	[tilespmem:$0x18100] =	vst v63  }
0x2d1: {  	s22 =	simm.s32 $0x5900  }
0x2d2: {  	[tilespmem:s22], [sflag:$0x1] =	stream.indirect_vreg.gather [hbm4b:s6+s3], $0x80, v3, vm0, $0xb8;
	[tilespmem:$0x18100] =	vst v63  }
0x2d3: {  	s23 =	simm.s32 $0x6100  }
0x2d4: {  	[tilespmem:s23], [sflag:$0x1] =	stream.indirect_vreg.gather [hbm4b:s7+s3], $0x80, v3, vm0, $0xb8;
	[tilespmem:$0x18100] =	vst v63  }
0x2d5: {  	s24 =	simm.s32 $0x6900  }
0x2d6: {  	[tilespmem:s24], [sflag:$0x1] =	stream.indirect_vreg.gather [hbm4b:s8+s3], $0x80, v3, vm0, $0xb8;
	[tilespmem:$0x18100] =	vst v63  }
0x2d7: {  	s25 =	simm.s32 $0x7100  }
0x2d8: {  	[tilespmem:s25], [sflag:$0x1] =	stream.indirect_vreg.gather [hbm4b:s9+s3], $0x80, v3, vm0, $0xb8;
	[tilespmem:$0x18100] =	vst v63  }
0x2d9: {  	s26 =	simm.s32 $0x7900  }
0x2da: {  	[tilespmem:s26], [sflag:$0x1] =	stream.indirect_vreg.gather [hbm4b:s10+s3], $0x80, v3, vm0, $0xb8;
	[tilespmem:$0x18100] =	vst v63  }
0x2db: {  	_ =	swait.ge [sflag:s14], $0x8000  }
0x2dc: {  	[sflag:s14] =	ssyncset.done $0x0  }
0x2dd: {  	s28 =	rddreg [dreg:$0x13];
	[sflag:s14] =	ssyncadd.s32 $0xFFFF8000  }
0x2de: {  	[hbm4b:s28+s3] =	stream.linear.scatter [tilespmem:s11], [sflag:$0x6], $0x8000, $0x38;
	[tilespmem:$0x18100] =	vst v63  }
0x2df: {  	_ =	swait.ge [sflag:s12], $0x8000  }
0x2e0: {  	[sflag:s12] =	ssyncset.done $0x0  }
0x2e1: {  	s29 =	rddreg [dreg:$0x14];
	[sflag:s12] =	ssyncadd.s32 $0xFFFF8000  }
0x2e2: {  	[hbm4b:s29+s3] =	stream.linear.scatter [tilespmem:s18], [sflag:$0x4], $0x8000, $0x38;
	[tilespmem:$0x18100] =	vst v63  }
0x2e3: {  	s30 =	rddreg [dreg:$0x17];
	_ =	swait.ge [sflag:s2], $0x8000  }
0x2e4: {  	[sflag:s2] =	ssyncset.done $0x0  }
0x2e5: {  	[sflag:s2] =	ssyncadd.s32 $0xFFFF8000  }
0x2e6: {  	p0 =	sne.s32 s30, $0x1;
	_ =	swait.ge [sflag:s15], $0x8000  }
.Ltmp0:
0x2e7: {  	[sflag:s15] =	ssyncset.done $0x0;
	(pc) =	sbr.rel @p0 .LBB2_1-.Ltmp0, $4  }
0x2e8: {  	[sflag:s15] =	ssyncadd.s32 $0xFFFF8000  }
0x2e9: {  	_ =	swait.ge [sflag:s16], $0x8000  }
0x2ea: {  	[sflag:s16] =	ssyncset.done $0x0  }
0x2eb: {  	s11 =	sadd.s32 $0xFFFFFFFF, s30;
	[sflag:s16] =	ssyncadd.s32 $0xFFFF8000  }
0x2ec: {  	_ =	sfence.sel $0x180000  }
0x2ed: {  	[bflag:$0x0] =	sbarrier.arrive $0xFFFF  }
0x2ee: {  	_ =	strace $0x90000047  }
0x2ef: {  	s0 =	stileid.u32;
	[bflag:$0x2] =	sbarrier.arrive $0xFFFF  }
0x2f0: {  	p0 =	sne.s32 s0, $0x0;
	s0 =	rddreg [dreg:$0x3]  }
0x2f1: {  	s0 =	sadd.s32 @!p0 $0x100000, s0  }
0x2f2: {  	[sflag:s0] =	ssyncadd.tile.s32 @!p0 $0x1;
	_ =	shalt  }
.Lfunc_end2:
_tile_overlayer_lowered:
.L_overlay_start_2:
0x2f3: {  	(tag) =	ssettag $0x2  }
0x2f4: {  	s0 =	rddreg [dreg:$0x0];
	s2 =	stileid.u32  }
0x2f5: {  	s1 =	rddreg [dreg:$0x1];
	p0 =	sne.s32 s2, $0x0  }
0x2f6: {  	s3 =	rddreg [dreg:$0x2];
	[bflag:$0x3] =	sbarrier.arrive $0xFFFF;
	s2 =	simm.s32 @!p0 $0x1C07  }
0x2f7: {  	[timem:s3], [sflag:s2] =	dma.local @!p0 [hbm:s0], s1  }
0x2f8: {  	s0 =	simm.s32 @!p0 $0x7  }
0x2f9: {  	_ =	swait.ge @!p0 [sflag:s0], s1  }
0x2fa: {  	s1 =	ssub.s32 @!p0 $0x0, s1;
	[sflag:s0] =	ssyncset.done @!p0 $0x0  }
0x2fb: {  	[sflag:s0] =	ssyncadd.s32 @!p0 s1  }
0x2fc: {  	[bflag:$0x3] =	sbarrier.arrive $0xFFFF  }
0x2fd: {  	_ =	shalt  }

</sc_bundles>
